<compile_context>
chip_gen: v7x
topology: tpu7x:2x2x1
jax: 0.10.2.dev20260603
libtpu: 0.0.44.dev20260713+nightly
codegen_flags: <defaults>
</compile_context>

<pallas_src>
import functools

import jax
import jax.numpy as jnp
from jax import lax
from jax.experimental import pallas as pl
from jax.experimental.pallas import tpu as pltpu
from jax.experimental.pallas import tpu_sc as plsc

N = 10000
E = 320000
D = 128
N_PAD = 10240
CHUNK = 80
NBUF = 4
MM_BLOCK = 1024


def _mm_kernel(nf_ref, w1_ref, w2_ref, a_ref, b_ref):
    x = nf_ref[...]
    a_ref[...] = jnp.dot(x, w1_ref[...], preferred_element_type=jnp.float32)
    b_ref[...] = jnp.dot(x, w2_ref[...], preferred_element_type=jnp.float32)


def _precompute_tables(nf_pad, w1, w2):
    grid = N_PAD // MM_BLOCK
    out_sds = jax.ShapeDtypeStruct((N_PAD, D), jnp.float32)
    return pl.pallas_call(
        _mm_kernel,
        grid=(grid,),
        in_specs=[
            pl.BlockSpec((MM_BLOCK, D), lambda i: (i, 0)),
            pl.BlockSpec((D, D), lambda i: (0, 0)),
            pl.BlockSpec((D, D), lambda i: (0, 0)),
        ],
        out_specs=[
            pl.BlockSpec((MM_BLOCK, D), lambda i: (i, 0)),
            pl.BlockSpec((MM_BLOCK, D), lambda i: (i, 0)),
        ],
        out_shape=[out_sds, out_sds],
    )(nf_pad, w1, w2)


def _make_edge_kernel(num_workers, epw):
    mesh = plsc.VectorSubcoreMesh(core_axis_name="c", subcore_axis_name="s")
    n_chunks = epw // CHUNK

    rows_t = pltpu.VMEM((CHUNK, D), jnp.float32)

    @functools.partial(
        pl.kernel,
        mesh=mesh,
        out_type=jax.ShapeDtypeStruct((E, D), jnp.float32),
        scratch_types=(
            [pltpu.VMEM((epw,), jnp.int32)] * 3
            + [rows_t] * NBUF + [rows_t] * NBUF
            + [pltpu.SemaphoreType.DMA] * (3 * NBUF)
        ),
    )
    def edge_kernel(a_hbm, b_hbm, src_hbm, dst_hbm, conn_hbm, out_hbm,
                    *refs):
        src_v, dst_v, conn_v = refs[0:3]
        rows_a = refs[3:3 + NBUF]
        rows_b = refs[3 + NBUF:3 + 2 * NBUF]
        sems = refs[3 + 2 * NBUF:]
        sem_a = sems[0:NBUF]
        sem_b = sems[NBUF:2 * NBUF]
        sem_w = sems[2 * NBUF:3 * NBUF]

        nc = num_workers // 16
        wid = lax.axis_index("s") * nc + lax.axis_index("c")
        base = wid * epw
        pltpu.sync_copy(src_hbm.at[pl.ds(base, epw)], src_v)
        pltpu.sync_copy(dst_hbm.at[pl.ds(base, epw)], dst_v)
        pltpu.sync_copy(conn_hbm.at[pl.ds(base, epw)], conn_v)

        def mask_body(j, carry):
            sl = pl.ds(j * 16, 16)
            s = src_v[sl]
            dd = dst_v[sl]
            m = (conn_v[sl] == 1) & (s < dd)
            src_v[sl] = jnp.where(m, s, N)
            dst_v[sl] = jnp.where(m, dd, N)
            return carry

        lax.fori_loop(0, epw // 16, mask_body, 0, unroll=4)

        def issue(k, b):
            off = k * CHUNK
            pltpu.async_copy(a_hbm.at[src_v.at[pl.ds(off, CHUNK)]],
                             rows_a[b], sem_a[b])
            pltpu.async_copy(b_hbm.at[dst_v.at[pl.ds(off, CHUNK)]],
                             rows_b[b], sem_b[b])

        def process(k, b):
            off = k * CHUNK
            pltpu.make_async_copy(a_hbm.at[pl.ds(0, CHUNK)],
                                  rows_a[b], sem_a[b]).wait()
            pltpu.make_async_copy(b_hbm.at[pl.ds(0, CHUNK)],
                                  rows_b[b], sem_b[b]).wait()

            @pl.when(k >= NBUF)
            def _():
                pltpu.make_async_copy(rows_a[b], out_hbm.at[pl.ds(0, CHUNK)],
                                      sem_w[b]).wait()

            pltpu.async_copy(rows_a[b], out_hbm.at[pl.ds(base + off, CHUNK)],
                             sem_w[b])

        for b in range(NBUF):
            issue(b, b)

        def outer_body(i, carry):
            for b in range(NBUF):
                k = NBUF * i + b
                process(k, b)

                @pl.when(k + NBUF < n_chunks)
                def _():
                    issue(k + NBUF, b)
            return carry

        lax.fori_loop(0, n_chunks // NBUF, outer_body, 0)
        for k in range(n_chunks - n_chunks % NBUF, n_chunks):
            b = k % NBUF
            process(k, b)

        for b in range(NBUF):
            pltpu.make_async_copy(rows_a[b], out_hbm.at[pl.ds(0, CHUNK)],
                                  sem_w[b]).wait()

    return edge_kernel


def kernel(nf, edge_index, connected, W):
    ei = edge_index.astype(jnp.int32)
    src = ei[0]
    dst = ei[1]
    conn = connected.astype(jnp.int32)
    nf_pad = jnp.zeros((N_PAD, D), jnp.float32).at[:N, :].set(nf)
    w1 = W[:D, :]
    w2 = W[D:, :]
    a, b = _precompute_tables(nf_pad, w1, w2)

    info = plsc.get_sparse_core_info()
    num_workers = info.num_cores * info.num_subcores
    epw = E // num_workers
    edge_fn = _make_edge_kernel(num_workers, epw)
    return edge_fn(a, b, src, dst, conn)

# --- scband reference (transcript-rebuilt; emitter-appended) ---
"""Pipeline reference for scband-gnnlayer-edge-58755152609752 (READ-ONLY COPY).

The authoritative reference and input builder live on the scoring server;
editing this copy changes nothing except your own understanding.
"""

import jax, jax.numpy as jnp
import numpy as np

N, E, D = 10000, 320000, 128

def setup_inputs(seed: int = 0) -> dict:
    key = jax.random.key(seed)
    k1, k2, k3, k4 = jax.random.split(key, 4)
    nf = jax.random.normal(k1, (N, D), dtype=jnp.float32)
    edge_index = jax.random.randint(k2, (2, E), 0, N).astype(jnp.int64)
    connected = jax.random.randint(k3, (E,), 0, 2).astype(jnp.int32)
    # nn.Linear(2*D, D, bias=False): torch weight is (out,in); we store transposed (in,out)
    W = (jax.random.normal(k4, (2 * D, D), dtype=jnp.float32) * (1.0 / np.sqrt(2 * D))).astype(jnp.float32)
    return {"nf": nf, "edge_index": edge_index, "connected": connected, "W": W}

def reference(nf, edge_index, connected, W):
    src = edge_index[0]
    dst = edge_index[1]
    # _connected_edges: (edges.data['connected'] == 1) * (edges.src['id'] < edges.dst['id'])
    # node 'id' is taken to be the node index (arange), so src['id'] < dst['id'] <=> src < dst
    mask = (connected == 1) & (src < dst)
    # message_func: concat(src nf, dst nf) -> Linear(no bias) -> LeakyReLU (torch default slope 0.01)
    feat = jnp.concatenate([jnp.take(nf, src, axis=0), jnp.take(nf, dst, axis=0)], axis=-1)
    msg = jax.nn.leaky_relu(feat @ W, negative_slope=0.01)
    # original returns msg[c_edges] (dynamic shape); we return the dense-masked equivalent:
    # messages zeroed on non-selected edges, shape [E, out_dim]
    return msg * mask[:, None].astype(msg.dtype)

if __name__ == "__main__":
    import jax
    _d = setup_inputs()
    print(jax.jit(kernel)(*tuple(_d.values())))

</pallas_src>

<mosaic_0001>
#map = affine_map<(d0, d1) -> (0, 0)>
#map1 = affine_map<(d0, d1) -> (0)>
module attributes {stable_mosaic.version = 14 : i64} {
  func.func @edge_kernel(%arg0: i32, %arg1: i32, %arg2: memref<10240x128xf32, #tpu.memory_space<hbm>>, %arg3: memref<10240x128xf32, #tpu.memory_space<hbm>>, %arg4: memref<320000xi32, #tpu.memory_space<hbm>>, %arg5: memref<320000xi32, #tpu.memory_space<hbm>>, %arg6: memref<320000xi32, #tpu.memory_space<hbm>>, %arg7: memref<320000x128xf32, #tpu.memory_space<hbm>>, %arg8: memref<10000xi32, #tpu.memory_space<vmem>>, %arg9: memref<10000xi32, #tpu.memory_space<vmem>>, %arg10: memref<10000xi32, #tpu.memory_space<vmem>>, %arg11: memref<80x128xf32, #tpu.memory_space<vmem>>, %arg12: memref<80x128xf32, #tpu.memory_space<vmem>>, %arg13: memref<80x128xf32, #tpu.memory_space<vmem>>, %arg14: memref<80x128xf32, #tpu.memory_space<vmem>>, %arg15: memref<80x128xf32, #tpu.memory_space<vmem>>, %arg16: memref<80x128xf32, #tpu.memory_space<vmem>>, %arg17: memref<80x128xf32, #tpu.memory_space<vmem>>, %arg18: memref<80x128xf32, #tpu.memory_space<vmem>>, %arg19: memref<!tpu.dma_semaphore, #tpu.memory_space<semaphore_mem>>, %arg20: memref<!tpu.dma_semaphore, #tpu.memory_space<semaphore_mem>>, %arg21: memref<!tpu.dma_semaphore, #tpu.memory_space<semaphore_mem>>, %arg22: memref<!tpu.dma_semaphore, #tpu.memory_space<semaphore_mem>>, %arg23: memref<!tpu.dma_semaphore, #tpu.memory_space<semaphore_mem>>, %arg24: memref<!tpu.dma_semaphore, #tpu.memory_space<semaphore_mem>>, %arg25: memref<!tpu.dma_semaphore, #tpu.memory_space<semaphore_mem>>, %arg26: memref<!tpu.dma_semaphore, #tpu.memory_space<semaphore_mem>>, %arg27: memref<!tpu.dma_semaphore, #tpu.memory_space<semaphore_mem>>, %arg28: memref<!tpu.dma_semaphore, #tpu.memory_space<semaphore_mem>>, %arg29: memref<!tpu.dma_semaphore, #tpu.memory_space<semaphore_mem>>, %arg30: memref<!tpu.dma_semaphore, #tpu.memory_space<semaphore_mem>>) attributes {dimension_semantics = [#tpu.dimension_semantics<core_parallel>, #tpu.dimension_semantics<subcore_parallel>], iteration_bounds = array<i64: 2, 16>, scalar_prefetch = 0 : i64, scratch_operands = 23 : i64, tpu.core_type = #tpu.core_type<sc_vector_subcore>, window_params = [{transform_indices = #map}, {transform_indices = #map}, {transform_indices = #map1}, {transform_indices = #map1}, {transform_indices = #map1}, {transform_indices = #map}]} {
    %mul3A = arith.constant 2 : i32
    %mul3A_0 = arith.muli %arg1, %mul3A : i32
    %add3A = arith.addi %mul3A_0, %arg0 : i32
    %mul3A_1 = arith.constant 10000 : i32
    %mul3A_2 = arith.muli %add3A, %mul3A_1 : i32
    "tpu.region"() ({
      %run_scoped3A = tpu.sem_alloc : memref<!tpu.dma_semaphore, #tpu.memory_space<semaphore_mem>>
      %dma_start3A_124 = tpu.memref_slice %arg4[%mul3A_2] : memref<320000xi32, #tpu.memory_space<hbm>> -> memref<10000xi32, #tpu.memory_space<hbm>>
      %dma_start3A_125 = tpu.memref_slice %arg4[%mul3A_2] : memref<320000xi32, #tpu.memory_space<hbm>> -> memref<10000xi32, #tpu.memory_space<hbm>>
      tpu.enqueue_dma source(%dma_start3A_125 : memref<10000xi32, #tpu.memory_space<hbm>>) target(%arg8 : memref<10000xi32, #tpu.memory_space<vmem>>) target_semaphore(%run_scoped3A : memref<!tpu.dma_semaphore, #tpu.memory_space<semaphore_mem>>)
      %dma_wait3A_126 = tpu.memref_slice %arg4[%mul3A_2] : memref<320000xi32, #tpu.memory_space<hbm>> -> memref<10000xi32, #tpu.memory_space<hbm>>
      %dma_wait3A_127 = tpu.memref_slice %arg4[%mul3A_2] : memref<320000xi32, #tpu.memory_space<hbm>> -> memref<10000xi32, #tpu.memory_space<hbm>>
      tpu.wait_dma2 semaphore(%run_scoped3A : memref<!tpu.dma_semaphore, #tpu.memory_space<semaphore_mem>>) src(%dma_wait3A_127 : memref<10000xi32, #tpu.memory_space<hbm>>) dst(%arg8 : memref<10000xi32, #tpu.memory_space<vmem>>)
      tpu.yield
    }) : () -> ()
    "tpu.region"() ({
      %run_scoped3A = tpu.sem_alloc : memref<!tpu.dma_semaphore, #tpu.memory_space<semaphore_mem>>
      %dma_start3A_124 = tpu.memref_slice %arg5[%mul3A_2] : memref<320000xi32, #tpu.memory_space<hbm>> -> memref<10000xi32, #tpu.memory_space<hbm>>
      %dma_start3A_125 = tpu.memref_slice %arg5[%mul3A_2] : memref<320000xi32, #tpu.memory_space<hbm>> -> memref<10000xi32, #tpu.memory_space<hbm>>
      tpu.enqueue_dma source(%dma_start3A_125 : memref<10000xi32, #tpu.memory_space<hbm>>) target(%arg9 : memref<10000xi32, #tpu.memory_space<vmem>>) target_semaphore(%run_scoped3A : memref<!tpu.dma_semaphore, #tpu.memory_space<semaphore_mem>>)
      %dma_wait3A_126 = tpu.memref_slice %arg5[%mul3A_2] : memref<320000xi32, #tpu.memory_space<hbm>> -> memref<10000xi32, #tpu.memory_space<hbm>>
      %dma_wait3A_127 = tpu.memref_slice %arg5[%mul3A_2] : memref<320000xi32, #tpu.memory_space<hbm>> -> memref<10000xi32, #tpu.memory_space<hbm>>
      tpu.wait_dma2 semaphore(%run_scoped3A : memref<!tpu.dma_semaphore, #tpu.memory_space<semaphore_mem>>) src(%dma_wait3A_127 : memref<10000xi32, #tpu.memory_space<hbm>>) dst(%arg9 : memref<10000xi32, #tpu.memory_space<vmem>>)
      tpu.yield
    }) : () -> ()
    "tpu.region"() ({
      %run_scoped3A = tpu.sem_alloc : memref<!tpu.dma_semaphore, #tpu.memory_space<semaphore_mem>>
      %dma_start3A_124 = tpu.memref_slice %arg6[%mul3A_2] : memref<320000xi32, #tpu.memory_space<hbm>> -> memref<10000xi32, #tpu.memory_space<hbm>>
      %dma_start3A_125 = tpu.memref_slice %arg6[%mul3A_2] : memref<320000xi32, #tpu.memory_space<hbm>> -> memref<10000xi32, #tpu.memory_space<hbm>>
      tpu.enqueue_dma source(%dma_start3A_125 : memref<10000xi32, #tpu.memory_space<hbm>>) target(%arg10 : memref<10000xi32, #tpu.memory_space<vmem>>) target_semaphore(%run_scoped3A : memref<!tpu.dma_semaphore, #tpu.memory_space<semaphore_mem>>)
      %dma_wait3A_126 = tpu.memref_slice %arg6[%mul3A_2] : memref<320000xi32, #tpu.memory_space<hbm>> -> memref<10000xi32, #tpu.memory_space<hbm>>
      %dma_wait3A_127 = tpu.memref_slice %arg6[%mul3A_2] : memref<320000xi32, #tpu.memory_space<hbm>> -> memref<10000xi32, #tpu.memory_space<hbm>>
      tpu.wait_dma2 semaphore(%run_scoped3A : memref<!tpu.dma_semaphore, #tpu.memory_space<semaphore_mem>>) src(%dma_wait3A_127 : memref<10000xi32, #tpu.memory_space<hbm>>) dst(%arg10 : memref<10000xi32, #tpu.memory_space<vmem>>)
      tpu.yield
    }) : () -> ()
    %scan3A = arith.constant 0 : i32
    %scan3A_3 = arith.constant 0 : i32
    %scan3A_4 = arith.constant 624 : i32
    %scan3A_5 = arith.addi %scan3A_3, %scan3A_4 : i32
    %scan3A_6 = arith.constant 4 : i32
    scf.for %scan3A_124 = %scan3A_3 to %scan3A_5 step %scan3A_6  : i32 {
      %mul3A_125 = arith.constant 16 : i32
      %mul3A_126 = arith.muli %scan3A_124, %mul3A_125 : i32
      %get3A_127 = arith.index_cast %mul3A_126 : i32 to index
      %get3A_128 = tpu.vector_load %arg8[%get3A_127] {strides = array<i32>} : memref<10000xi32, #tpu.memory_space<vmem>>, vector<16xi32>,
      %get3A_129 = vector.shape_cast %get3A_128 : vector<16xi32> to vector<16xi32>
      %get3A_130 = arith.index_cast %mul3A_126 : i32 to index
      %get3A_131 = tpu.vector_load %arg9[%get3A_130] {strides = array<i32>} : memref<10000xi32, #tpu.memory_space<vmem>>, vector<16xi32>,
      %get3A_132 = vector.shape_cast %get3A_131 : vector<16xi32> to vector<16xi32>
      %get3A_133 = arith.index_cast %mul3A_126 : i32 to index
      %get3A_134 = tpu.vector_load %arg10[%get3A_133] {strides = array<i32>} : memref<10000xi32, #tpu.memory_space<vmem>>, vector<16xi32>,
      %get3A_135 = vector.shape_cast %get3A_134 : vector<16xi32> to vector<16xi32>
      %eq3A_136 = arith.constant 1 : i32
      %eq3A_137 = vector.broadcast %eq3A_136 : i32 to vector<16xi32>
      %eq3A_138 = arith.cmpi eq, %get3A_135, %eq3A_137 : vector<16xi32>
      %lt3A_139 = arith.cmpi slt, %get3A_129, %get3A_132 : vector<16xi32>
      %and3A_140 = arith.andi %eq3A_138, %lt3A_139 : vector<16xi1>
      %jit3A_141 = arith.constant 10000 : i32
      %broadcast_in_dim3A_142 = vector.broadcast %jit3A_141 : i32 to vector<16xi32>
      %select_n3A_143 = arith.select %and3A_140, %get3A_129, %broadcast_in_dim3A_142 : vector<16xi1>, vector<16xi32>
      %swap3A_144 = arith.index_cast %mul3A_126 : i32 to index
      %swap3A_145 = tpu.vector_load %arg8[%swap3A_144] {strides = array<i32>} : memref<10000xi32, #tpu.memory_space<vmem>>, vector<16xi32>,
      %swap3A_146 = vector.shape_cast %swap3A_145 : vector<16xi32> to vector<16xi32>
      %swap3A_147 = vector.shape_cast %select_n3A_143 : vector<16xi32> to vector<16xi32>
      tpu.vector_store %arg8[%swap3A_144], %swap3A_147 {strides = array<i32>} : memref<10000xi32, #tpu.memory_space<vmem>>, vector<16xi32>,
      %jit3A_148 = arith.constant 10000 : i32
      %broadcast_in_dim3A_149 = vector.broadcast %jit3A_148 : i32 to vector<16xi32>
      %select_n3A_150 = arith.select %and3A_140, %get3A_132, %broadcast_in_dim3A_149 : vector<16xi1>, vector<16xi32>
      %swap3A_151 = arith.index_cast %mul3A_126 : i32 to index
      %swap3A_152 = tpu.vector_load %arg9[%swap3A_151] {strides = array<i32>} : memref<10000xi32, #tpu.memory_space<vmem>>, vector<16xi32>,
      %swap3A_153 = vector.shape_cast %swap3A_152 : vector<16xi32> to vector<16xi32>
      %swap3A_154 = vector.shape_cast %select_n3A_150 : vector<16xi32> to vector<16xi32>
      tpu.vector_store %arg9[%swap3A_151], %swap3A_154 {strides = array<i32>} : memref<10000xi32, #tpu.memory_space<vmem>>, vector<16xi32>,
      %scan3A_155 = arith.constant 1 : i32
      %scan3A_156 = arith.addi %scan3A_124, %scan3A_155 : i32
      %mul3A_157 = arith.constant 16 : i32
      %mul3A_158 = arith.muli %scan3A_156, %mul3A_157 : i32
      %get3A_159 = arith.index_cast %mul3A_158 : i32 to index
      %get3A_160 = tpu.vector_load %arg8[%get3A_159] {strides = array<i32>} : memref<10000xi32, #tpu.memory_space<vmem>>, vector<16xi32>,
      %get3A_161 = vector.shape_cast %get3A_160 : vector<16xi32> to vector<16xi32>
      %get3A_162 = arith.index_cast %mul3A_158 : i32 to index
      %get3A_163 = tpu.vector_load %arg9[%get3A_162] {strides = array<i32>} : memref<10000xi32, #tpu.memory_space<vmem>>, vector<16xi32>,
      %get3A_164 = vector.shape_cast %get3A_163 : vector<16xi32> to vector<16xi32>
      %get3A_165 = arith.index_cast %mul3A_158 : i32 to index
      %get3A_166 = tpu.vector_load %arg10[%get3A_165] {strides = array<i32>} : memref<10000xi32, #tpu.memory_space<vmem>>, vector<16xi32>,
      %get3A_167 = vector.shape_cast %get3A_166 : vector<16xi32> to vector<16xi32>
      %eq3A_168 = arith.constant 1 : i32
      %eq3A_169 = vector.broadcast %eq3A_168 : i32 to vector<16xi32>
      %eq3A_170 = arith.cmpi eq, %get3A_167, %eq3A_169 : vector<16xi32>
      %lt3A_171 = arith.cmpi slt, %get3A_161, %get3A_164 : vector<16xi32>
      %and3A_172 = arith.andi %eq3A_170, %lt3A_171 : vector<16xi1>
      %jit3A_173 = arith.constant 10000 : i32
      %broadcast_in_dim3A_174 = vector.broadcast %jit3A_173 : i32 to vector<16xi32>
      %select_n3A_175 = arith.select %and3A_172, %get3A_161, %broadcast_in_dim3A_174 : vector<16xi1>, vector<16xi32>
      %swap3A_176 = arith.index_cast %mul3A_158 : i32 to index
      %swap3A_177 = tpu.vector_load %arg8[%swap3A_176] {strides = array<i32>} : memref<10000xi32, #tpu.memory_space<vmem>>, vector<16xi32>,
      %swap3A_178 = vector.shape_cast %swap3A_177 : vector<16xi32> to vector<16xi32>
      %swap3A_179 = vector.shape_cast %select_n3A_175 : vector<16xi32> to vector<16xi32>
      tpu.vector_store %arg8[%swap3A_176], %swap3A_179 {strides = array<i32>} : memref<10000xi32, #tpu.memory_space<vmem>>, vector<16xi32>,
      %jit3A_180 = arith.constant 10000 : i32
      %broadcast_in_dim3A_181 = vector.broadcast %jit3A_180 : i32 to vector<16xi32>
      %select_n3A_182 = arith.select %and3A_172, %get3A_164, %broadcast_in_dim3A_181 : vector<16xi1>, vector<16xi32>
      %swap3A_183 = arith.index_cast %mul3A_158 : i32 to index
      %swap3A_184 = tpu.vector_load %arg9[%swap3A_183] {strides = array<i32>} : memref<10000xi32, #tpu.memory_space<vmem>>, vector<16xi32>,
      %swap3A_185 = vector.shape_cast %swap3A_184 : vector<16xi32> to vector<16xi32>
      %swap3A_186 = vector.shape_cast %select_n3A_182 : vector<16xi32> to vector<16xi32>
      tpu.vector_store %arg9[%swap3A_183], %swap3A_186 {strides = array<i32>} : memref<10000xi32, #tpu.memory_space<vmem>>, vector<16xi32>,
      %scan3A_187 = arith.constant 2 : i32
      %scan3A_188 = arith.addi %scan3A_124, %scan3A_187 : i32
      %mul3A_189 = arith.constant 16 : i32
      %mul3A_190 = arith.muli %scan3A_188, %mul3A_189 : i32
      %get3A_191 = arith.index_cast %mul3A_190 : i32 to index
      %get3A_192 = tpu.vector_load %arg8[%get3A_191] {strides = array<i32>} : memref<10000xi32, #tpu.memory_space<vmem>>, vector<16xi32>,
      %get3A_193 = vector.shape_cast %get3A_192 : vector<16xi32> to vector<16xi32>
      %get3A_194 = arith.index_cast %mul3A_190 : i32 to index
      %get3A_195 = tpu.vector_load %arg9[%get3A_194] {strides = array<i32>} : memref<10000xi32, #tpu.memory_space<vmem>>, vector<16xi32>,
      %get3A_196 = vector.shape_cast %get3A_195 : vector<16xi32> to vector<16xi32>
      %get3A_197 = arith.index_cast %mul3A_190 : i32 to index
      %get3A_198 = tpu.vector_load %arg10[%get3A_197] {strides = array<i32>} : memref<10000xi32, #tpu.memory_space<vmem>>, vector<16xi32>,
      %get3A_199 = vector.shape_cast %get3A_198 : vector<16xi32> to vector<16xi32>
      %eq3A_200 = arith.constant 1 : i32
      %eq3A_201 = vector.broadcast %eq3A_200 : i32 to vector<16xi32>
      %eq3A_202 = arith.cmpi eq, %get3A_199, %eq3A_201 : vector<16xi32>
      %lt3A_203 = arith.cmpi slt, %get3A_193, %get3A_196 : vector<16xi32>
      %and3A_204 = arith.andi %eq3A_202, %lt3A_203 : vector<16xi1>
      %jit3A_205 = arith.constant 10000 : i32
      %broadcast_in_dim3A_206 = vector.broadcast %jit3A_205 : i32 to vector<16xi32>
      %select_n3A_207 = arith.select %and3A_204, %get3A_193, %broadcast_in_dim3A_206 : vector<16xi1>, vector<16xi32>
      %swap3A_208 = arith.index_cast %mul3A_190 : i32 to index
      %swap3A_209 = tpu.vector_load %arg8[%swap3A_208] {strides = array<i32>} : memref<10000xi32, #tpu.memory_space<vmem>>, vector<16xi32>,
      %swap3A_210 = vector.shape_cast %swap3A_209 : vector<16xi32> to vector<16xi32>
      %swap3A_211 = vector.shape_cast %select_n3A_207 : vector<16xi32> to vector<16xi32>
      tpu.vector_store %arg8[%swap3A_208], %swap3A_211 {strides = array<i32>} : memref<10000xi32, #tpu.memory_space<vmem>>, vector<16xi32>,
      %jit3A_212 = arith.constant 10000 : i32
      %broadcast_in_dim3A_213 = vector.broadcast %jit3A_212 : i32 to vector<16xi32>
      %select_n3A_214 = arith.select %and3A_204, %get3A_196, %broadcast_in_dim3A_213 : vector<16xi1>, vector<16xi32>
      %swap3A_215 = arith.index_cast %mul3A_190 : i32 to index
      %swap3A_216 = tpu.vector_load %arg9[%swap3A_215] {strides = array<i32>} : memref<10000xi32, #tpu.memory_space<vmem>>, vector<16xi32>,
      %swap3A_217 = vector.shape_cast %swap3A_216 : vector<16xi32> to vector<16xi32>
      %swap3A_218 = vector.shape_cast %select_n3A_214 : vector<16xi32> to vector<16xi32>
      tpu.vector_store %arg9[%swap3A_215], %swap3A_218 {strides = array<i32>} : memref<10000xi32, #tpu.memory_space<vmem>>, vector<16xi32>,
      %scan3A_219 = arith.constant 3 : i32
      %scan3A_220 = arith.addi %scan3A_124, %scan3A_219 : i32
      %mul3A_221 = arith.constant 16 : i32
      %mul3A_222 = arith.muli %scan3A_220, %mul3A_221 : i32
      %get3A_223 = arith.index_cast %mul3A_222 : i32 to index
      %get3A_224 = tpu.vector_load %arg8[%get3A_223] {strides = array<i32>} : memref<10000xi32, #tpu.memory_space<vmem>>, vector<16xi32>,
      %get3A_225 = vector.shape_cast %get3A_224 : vector<16xi32> to vector<16xi32>
      %get3A_226 = arith.index_cast %mul3A_222 : i32 to index
      %get3A_227 = tpu.vector_load %arg9[%get3A_226] {strides = array<i32>} : memref<10000xi32, #tpu.memory_space<vmem>>, vector<16xi32>,
      %get3A_228 = vector.shape_cast %get3A_227 : vector<16xi32> to vector<16xi32>
      %get3A_229 = arith.index_cast %mul3A_222 : i32 to index
      %get3A_230 = tpu.vector_load %arg10[%get3A_229] {strides = array<i32>} : memref<10000xi32, #tpu.memory_space<vmem>>, vector<16xi32>,
      %get3A_231 = vector.shape_cast %get3A_230 : vector<16xi32> to vector<16xi32>
      %eq3A_232 = arith.constant 1 : i32
      %eq3A_233 = vector.broadcast %eq3A_232 : i32 to vector<16xi32>
      %eq3A_234 = arith.cmpi eq, %get3A_231, %eq3A_233 : vector<16xi32>
      %lt3A_235 = arith.cmpi slt, %get3A_225, %get3A_228 : vector<16xi32>
      %and3A_236 = arith.andi %eq3A_234, %lt3A_235 : vector<16xi1>
      %jit3A_237 = arith.constant 10000 : i32
      %broadcast_in_dim3A_238 = vector.broadcast %jit3A_237 : i32 to vector<16xi32>
      %select_n3A_239 = arith.select %and3A_236, %get3A_225, %broadcast_in_dim3A_238 : vector<16xi1>, vector<16xi32>
      %swap3A_240 = arith.index_cast %mul3A_222 : i32 to index
      %swap3A_241 = tpu.vector_load %arg8[%swap3A_240] {strides = array<i32>} : memref<10000xi32, #tpu.memory_space<vmem>>, vector<16xi32>,
      %swap3A_242 = vector.shape_cast %swap3A_241 : vector<16xi32> to vector<16xi32>
      %swap3A_243 = vector.shape_cast %select_n3A_239 : vector<16xi32> to vector<16xi32>
      tpu.vector_store %arg8[%swap3A_240], %swap3A_243 {strides = array<i32>} : memref<10000xi32, #tpu.memory_space<vmem>>, vector<16xi32>,
      %jit3A_244 = arith.constant 10000 : i32
      %broadcast_in_dim3A_245 = vector.broadcast %jit3A_244 : i32 to vector<16xi32>
      %select_n3A_246 = arith.select %and3A_236, %get3A_228, %broadcast_in_dim3A_245 : vector<16xi1>, vector<16xi32>
      %swap3A_247 = arith.index_cast %mul3A_222 : i32 to index
      %swap3A_248 = tpu.vector_load %arg9[%swap3A_247] {strides = array<i32>} : memref<10000xi32, #tpu.memory_space<vmem>>, vector<16xi32>,
      %swap3A_249 = vector.shape_cast %swap3A_248 : vector<16xi32> to vector<16xi32>
      %swap3A_250 = vector.shape_cast %select_n3A_246 : vector<16xi32> to vector<16xi32>
      tpu.vector_store %arg9[%swap3A_247], %swap3A_250 {strides = array<i32>} : memref<10000xi32, #tpu.memory_space<vmem>>, vector<16xi32>,
    }
    %scan3A_7 = arith.constant 624 : i32
    %scan3A_8 = arith.addi %scan3A_3, %scan3A_7 : i32
    %mul3A_9 = arith.constant 16 : i32
    %mul3A_10 = arith.muli %scan3A_8, %mul3A_9 : i32
    %get3A = arith.index_cast %mul3A_10 : i32 to index
    %get3A_11 = tpu.vector_load %arg8[%get3A] {strides = array<i32>} : memref<10000xi32, #tpu.memory_space<vmem>>, vector<16xi32>,
    %get3A_12 = vector.shape_cast %get3A_11 : vector<16xi32> to vector<16xi32>
    %get3A_13 = arith.index_cast %mul3A_10 : i32 to index
    %get3A_14 = tpu.vector_load %arg9[%get3A_13] {strides = array<i32>} : memref<10000xi32, #tpu.memory_space<vmem>>, vector<16xi32>,
    %get3A_15 = vector.shape_cast %get3A_14 : vector<16xi32> to vector<16xi32>
    %get3A_16 = arith.index_cast %mul3A_10 : i32 to index
    %get3A_17 = tpu.vector_load %arg10[%get3A_16] {strides = array<i32>} : memref<10000xi32, #tpu.memory_space<vmem>>, vector<16xi32>,
    %get3A_18 = vector.shape_cast %get3A_17 : vector<16xi32> to vector<16xi32>
    %eq3A = arith.constant 1 : i32
    %eq3A_19 = vector.broadcast %eq3A : i32 to vector<16xi32>
    %eq3A_20 = arith.cmpi eq, %get3A_18, %eq3A_19 : vector<16xi32>
    %lt3A = arith.cmpi slt, %get3A_12, %get3A_15 : vector<16xi32>
    %and3A = arith.andi %eq3A_20, %lt3A : vector<16xi1>
    %jit3A = arith.constant 10000 : i32
    %broadcast_in_dim3A = vector.broadcast %jit3A : i32 to vector<16xi32>
    %select_n3A = arith.select %and3A, %get3A_12, %broadcast_in_dim3A : vector<16xi1>, vector<16xi32>
    %swap3A = arith.index_cast %mul3A_10 : i32 to index
    %swap3A_21 = tpu.vector_load %arg8[%swap3A] {strides = array<i32>} : memref<10000xi32, #tpu.memory_space<vmem>>, vector<16xi32>,
    %swap3A_22 = vector.shape_cast %swap3A_21 : vector<16xi32> to vector<16xi32>
    %swap3A_23 = vector.shape_cast %select_n3A : vector<16xi32> to vector<16xi32>
    tpu.vector_store %arg8[%swap3A], %swap3A_23 {strides = array<i32>} : memref<10000xi32, #tpu.memory_space<vmem>>, vector<16xi32>,
    %jit3A_24 = arith.constant 10000 : i32
    %broadcast_in_dim3A_25 = vector.broadcast %jit3A_24 : i32 to vector<16xi32>
    %select_n3A_26 = arith.select %and3A, %get3A_15, %broadcast_in_dim3A_25 : vector<16xi1>, vector<16xi32>
    %swap3A_27 = arith.index_cast %mul3A_10 : i32 to index
    %swap3A_28 = tpu.vector_load %arg9[%swap3A_27] {strides = array<i32>} : memref<10000xi32, #tpu.memory_space<vmem>>, vector<16xi32>,
    %swap3A_29 = vector.shape_cast %swap3A_28 : vector<16xi32> to vector<16xi32>
    %swap3A_30 = vector.shape_cast %select_n3A_26 : vector<16xi32> to vector<16xi32>
    tpu.vector_store %arg9[%swap3A_27], %swap3A_30 {strides = array<i32>} : memref<10000xi32, #tpu.memory_space<vmem>>, vector<16xi32>,
    %scan3A_31 = arith.constant 625 : i32
    %dma_start3A = arith.constant 0 : i32
    %dma_start3A_32 = tpu.memref_slice %arg8[%dma_start3A] : memref<10000xi32, #tpu.memory_space<vmem>> -> memref<80xi32, #tpu.memory_space<vmem>>
    %dma_start3A_33 = arith.constant 0 : i32
    %dma_start3A_34 = arith.constant 0 : i32
    %dma_start3A_35 = tpu.memref_slice %arg2[%dma_start3A_33, %dma_start3A_34] : memref<10240x128xf32, #tpu.memory_space<hbm>> -> memref<10240x128xf32, #tpu.memory_space<hbm>>
    tpu.enqueue_indirect_dma source(%dma_start3A_35 : memref<10240x128xf32, #tpu.memory_space<hbm>>) target(%arg11 : memref<80x128xf32, #tpu.memory_space<vmem>>) offsets(%dma_start3A_32 : memref<80xi32, #tpu.memory_space<vmem>>) semaphore(%arg19 : memref<!tpu.dma_semaphore, #tpu.memory_space<semaphore_mem>>)
    %dma_start3A_36 = arith.constant 0 : i32
    %dma_start3A_37 = tpu.memref_slice %arg9[%dma_start3A_36] : memref<10000xi32, #tpu.memory_space<vmem>> -> memref<80xi32, #tpu.memory_space<vmem>>
    %dma_start3A_38 = arith.constant 0 : i32
    %dma_start3A_39 = arith.constant 0 : i32
    %dma_start3A_40 = tpu.memref_slice %arg3[%dma_start3A_38, %dma_start3A_39] : memref<10240x128xf32, #tpu.memory_space<hbm>> -> memref<10240x128xf32, #tpu.memory_space<hbm>>
    tpu.enqueue_indirect_dma source(%dma_start3A_40 : memref<10240x128xf32, #tpu.memory_space<hbm>>) target(%arg15 : memref<80x128xf32, #tpu.memory_space<vmem>>) offsets(%dma_start3A_37 : memref<80xi32, #tpu.memory_space<vmem>>) semaphore(%arg23 : memref<!tpu.dma_semaphore, #tpu.memory_space<semaphore_mem>>)
    %dma_start3A_41 = arith.constant 80 : i32
    %dma_start3A_42 = tpu.memref_slice %arg8[%dma_start3A_41] : memref<10000xi32, #tpu.memory_space<vmem>> -> memref<80xi32, #tpu.memory_space<vmem>>
    %dma_start3A_43 = arith.constant 0 : i32
    %dma_start3A_44 = arith.constant 0 : i32
    %dma_start3A_45 = tpu.memref_slice %arg2[%dma_start3A_43, %dma_start3A_44] : memref<10240x128xf32, #tpu.memory_space<hbm>> -> memref<10240x128xf32, #tpu.memory_space<hbm>>
    tpu.enqueue_indirect_dma source(%dma_start3A_45 : memref<10240x128xf32, #tpu.memory_space<hbm>>) target(%arg12 : memref<80x128xf32, #tpu.memory_space<vmem>>) offsets(%dma_start3A_42 : memref<80xi32, #tpu.memory_space<vmem>>) semaphore(%arg20 : memref<!tpu.dma_semaphore, #tpu.memory_space<semaphore_mem>>)
    %dma_start3A_46 = arith.constant 80 : i32
    %dma_start3A_47 = tpu.memref_slice %arg9[%dma_start3A_46] : memref<10000xi32, #tpu.memory_space<vmem>> -> memref<80xi32, #tpu.memory_space<vmem>>
    %dma_start3A_48 = arith.constant 0 : i32
    %dma_start3A_49 = arith.constant 0 : i32
    %dma_start3A_50 = tpu.memref_slice %arg3[%dma_start3A_48, %dma_start3A_49] : memref<10240x128xf32, #tpu.memory_space<hbm>> -> memref<10240x128xf32, #tpu.memory_space<hbm>>
    tpu.enqueue_indirect_dma source(%dma_start3A_50 : memref<10240x128xf32, #tpu.memory_space<hbm>>) target(%arg16 : memref<80x128xf32, #tpu.memory_space<vmem>>) offsets(%dma_start3A_47 : memref<80xi32, #tpu.memory_space<vmem>>) semaphore(%arg24 : memref<!tpu.dma_semaphore, #tpu.memory_space<semaphore_mem>>)
    %dma_start3A_51 = arith.constant 160 : i32
    %dma_start3A_52 = tpu.memref_slice %arg8[%dma_start3A_51] : memref<10000xi32, #tpu.memory_space<vmem>> -> memref<80xi32, #tpu.memory_space<vmem>>
    %dma_start3A_53 = arith.constant 0 : i32
    %dma_start3A_54 = arith.constant 0 : i32
    %dma_start3A_55 = tpu.memref_slice %arg2[%dma_start3A_53, %dma_start3A_54] : memref<10240x128xf32, #tpu.memory_space<hbm>> -> memref<10240x128xf32, #tpu.memory_space<hbm>>
    tpu.enqueue_indirect_dma source(%dma_start3A_55 : memref<10240x128xf32, #tpu.memory_space<hbm>>) target(%arg13 : memref<80x128xf32, #tpu.memory_space<vmem>>) offsets(%dma_start3A_52 : memref<80xi32, #tpu.memory_space<vmem>>) semaphore(%arg21 : memref<!tpu.dma_semaphore, #tpu.memory_space<semaphore_mem>>)
    %dma_start3A_56 = arith.constant 160 : i32
    %dma_start3A_57 = tpu.memref_slice %arg9[%dma_start3A_56] : memref<10000xi32, #tpu.memory_space<vmem>> -> memref<80xi32, #tpu.memory_space<vmem>>
    %dma_start3A_58 = arith.constant 0 : i32
    %dma_start3A_59 = arith.constant 0 : i32
    %dma_start3A_60 = tpu.memref_slice %arg3[%dma_start3A_58, %dma_start3A_59] : memref<10240x128xf32, #tpu.memory_space<hbm>> -> memref<10240x128xf32, #tpu.memory_space<hbm>>
    tpu.enqueue_indirect_dma source(%dma_start3A_60 : memref<10240x128xf32, #tpu.memory_space<hbm>>) target(%arg17 : memref<80x128xf32, #tpu.memory_space<vmem>>) offsets(%dma_start3A_57 : memref<80xi32, #tpu.memory_space<vmem>>) semaphore(%arg25 : memref<!tpu.dma_semaphore, #tpu.memory_space<semaphore_mem>>)
    %dma_start3A_61 = arith.constant 240 : i32
    %dma_start3A_62 = tpu.memref_slice %arg8[%dma_start3A_61] : memref<10000xi32, #tpu.memory_space<vmem>> -> memref<80xi32, #tpu.memory_space<vmem>>
    %dma_start3A_63 = arith.constant 0 : i32
    %dma_start3A_64 = arith.constant 0 : i32
    %dma_start3A_65 = tpu.memref_slice %arg2[%dma_start3A_63, %dma_start3A_64] : memref<10240x128xf32, #tpu.memory_space<hbm>> -> memref<10240x128xf32, #tpu.memory_space<hbm>>
    tpu.enqueue_indirect_dma source(%dma_start3A_65 : memref<10240x128xf32, #tpu.memory_space<hbm>>) target(%arg14 : memref<80x128xf32, #tpu.memory_space<vmem>>) offsets(%dma_start3A_62 : memref<80xi32, #tpu.memory_space<vmem>>) semaphore(%arg22 : memref<!tpu.dma_semaphore, #tpu.memory_space<semaphore_mem>>)
    %dma_start3A_66 = arith.constant 240 : i32
    %dma_start3A_67 = tpu.memref_slice %arg9[%dma_start3A_66] : memref<10000xi32, #tpu.memory_space<vmem>> -> memref<80xi32, #tpu.memory_space<vmem>>
    %dma_start3A_68 = arith.constant 0 : i32
    %dma_start3A_69 = arith.constant 0 : i32
    %dma_start3A_70 = tpu.memref_slice %arg3[%dma_start3A_68, %dma_start3A_69] : memref<10240x128xf32, #tpu.memory_space<hbm>> -> memref<10240x128xf32, #tpu.memory_space<hbm>>
    tpu.enqueue_indirect_dma source(%dma_start3A_70 : memref<10240x128xf32, #tpu.memory_space<hbm>>) target(%arg18 : memref<80x128xf32, #tpu.memory_space<vmem>>) offsets(%dma_start3A_67 : memref<80xi32, #tpu.memory_space<vmem>>) semaphore(%arg26 : memref<!tpu.dma_semaphore, #tpu.memory_space<semaphore_mem>>)
    %scan3A_71 = arith.constant 0 : i32
    %scan3A_72 = arith.constant 0 : i32
    %scan3A_73 = arith.constant 31 : i32
    %scan3A_74 = arith.addi %scan3A_72, %scan3A_73 : i32
    %scan3A_75 = arith.constant 1 : i32
    scf.for %scan3A_124 = %scan3A_72 to %scan3A_74 step %scan3A_75  : i32 {
      %mul3A_125 = arith.constant 4 : i32
      %mul3A_126 = arith.muli %mul3A_125, %scan3A_124 : i32
      %add3A_127 = arith.constant 0 : i32
      %add3A_128 = arith.addi %mul3A_126, %add3A_127 : i32
      %mul3A_129 = arith.constant 80 : i32
      %mul3A_130 = arith.muli %add3A_128, %mul3A_129 : i32
      %dma_wait3A_131 = arith.constant 0 : i32
      %dma_wait3A_132 = arith.constant 0 : i32
      %dma_wait3A_133 = tpu.memref_slice %arg2[%dma_wait3A_131, %dma_wait3A_132] : memref<10240x128xf32, #tpu.memory_space<hbm>> -> memref<80x128xf32, #tpu.memory_space<hbm>>
      %dma_wait3A_134 = arith.constant 0 : i32
      %dma_wait3A_135 = arith.constant 0 : i32
      %dma_wait3A_136 = tpu.memref_slice %arg2[%dma_wait3A_134, %dma_wait3A_135] : memref<10240x128xf32, #tpu.memory_space<hbm>> -> memref<80x128xf32, #tpu.memory_space<hbm>>
      tpu.wait_dma2 semaphore(%arg19 : memref<!tpu.dma_semaphore, #tpu.memory_space<semaphore_mem>>) src(%dma_wait3A_136 : memref<80x128xf32, #tpu.memory_space<hbm>>) dst(%arg11 : memref<80x128xf32, #tpu.memory_space<vmem>>)
      %dma_wait3A_137 = arith.constant 0 : i32
      %dma_wait3A_138 = arith.constant 0 : i32
      %dma_wait3A_139 = tpu.memref_slice %arg3[%dma_wait3A_137, %dma_wait3A_138] : memref<10240x128xf32, #tpu.memory_space<hbm>> -> memref<80x128xf32, #tpu.memory_space<hbm>>
      %dma_wait3A_140 = arith.constant 0 : i32
      %dma_wait3A_141 = arith.constant 0 : i32
      %dma_wait3A_142 = tpu.memref_slice %arg3[%dma_wait3A_140, %dma_wait3A_141] : memref<10240x128xf32, #tpu.memory_space<hbm>> -> memref<80x128xf32, #tpu.memory_space<hbm>>
      tpu.wait_dma2 semaphore(%arg23 : memref<!tpu.dma_semaphore, #tpu.memory_space<semaphore_mem>>) src(%dma_wait3A_142 : memref<80x128xf32, #tpu.memory_space<hbm>>) dst(%arg15 : memref<80x128xf32, #tpu.memory_space<vmem>>)
      %ge3A = arith.constant 4 : i32
      %ge3A_143 = arith.cmpi sge, %add3A_128, %ge3A : i32
      %convert_element_type3A = arith.extui %ge3A_143 : i1 to i32
      %cond3A = arith.constant 0 : i32
      %cond3A_144 = arith.cmpi ne, %convert_element_type3A, %cond3A : i32
      scf.if %cond3A_144 {
        %dma_wait3A_262 = arith.constant 0 : i32
        %dma_wait3A_263 = arith.constant 0 : i32
        %dma_wait3A_264 = tpu.memref_slice %arg7[%dma_wait3A_262, %dma_wait3A_263] : memref<320000x128xf32, #tpu.memory_space<hbm>> -> memref<80x128xf32, #tpu.memory_space<hbm>>
        %dma_wait3A_265 = arith.constant 0 : i32
        %dma_wait3A_266 = arith.constant 0 : i32
        %dma_wait3A_267 = tpu.memref_slice %arg7[%dma_wait3A_265, %dma_wait3A_266] : memref<320000x128xf32, #tpu.memory_space<hbm>> -> memref<80x128xf32, #tpu.memory_space<hbm>>
        tpu.wait_dma2 semaphore(%arg27 : memref<!tpu.dma_semaphore, #tpu.memory_space<semaphore_mem>>) src(%arg11 : memref<80x128xf32, #tpu.memory_space<vmem>>) dst(%dma_wait3A_267 : memref<80x128xf32, #tpu.memory_space<hbm>>)
      } else {
      }
      %add3A_145 = arith.addi %mul3A_2, %mul3A_130 : i32
      %dma_start3A_146 = arith.constant 0 : i32
      %dma_start3A_147 = tpu.memref_slice %arg7[%add3A_145, %dma_start3A_146] : memref<320000x128xf32, #tpu.memory_space<hbm>> -> memref<80x128xf32, #tpu.memory_space<hbm>>
      %dma_start3A_148 = arith.constant 0 : i32
      %dma_start3A_149 = tpu.memref_slice %arg7[%add3A_145, %dma_start3A_148] : memref<320000x128xf32, #tpu.memory_space<hbm>> -> memref<80x128xf32, #tpu.memory_space<hbm>>
      tpu.enqueue_dma source(%arg11 : memref<80x128xf32, #tpu.memory_space<vmem>>) target(%dma_start3A_149 : memref<80x128xf32, #tpu.memory_space<hbm>>) target_semaphore(%arg27 : memref<!tpu.dma_semaphore, #tpu.memory_space<semaphore_mem>>)
      %add3A_150 = arith.constant 4 : i32
      %add3A_151 = arith.addi %add3A_128, %add3A_150 : i32
      %lt3A_152 = arith.constant 125 : i32
      %lt3A_153 = arith.cmpi slt, %add3A_151, %lt3A_152 : i32
      %convert_element_type3A_154 = arith.extui %lt3A_153 : i1 to i32
      %cond3A_155 = arith.constant 0 : i32
      %cond3A_156 = arith.cmpi ne, %convert_element_type3A_154, %cond3A_155 : i32
      scf.if %cond3A_156 {
        %add3A_262 = arith.constant 4 : i32
        %add3A_263 = arith.addi %add3A_128, %add3A_262 : i32
        %mul3A_264 = arith.constant 80 : i32
        %mul3A_265 = arith.muli %add3A_263, %mul3A_264 : i32
        %dma_start3A_266 = tpu.memref_slice %arg8[%mul3A_265] : memref<10000xi32, #tpu.memory_space<vmem>> -> memref<80xi32, #tpu.memory_space<vmem>>
        %dma_start3A_267 = arith.constant 0 : i32
        %dma_start3A_268 = arith.constant 0 : i32
        %dma_start3A_269 = tpu.memref_slice %arg2[%dma_start3A_267, %dma_start3A_268] : memref<10240x128xf32, #tpu.memory_space<hbm>> -> memref<10240x128xf32, #tpu.memory_space<hbm>>
        tpu.enqueue_indirect_dma source(%dma_start3A_269 : memref<10240x128xf32, #tpu.memory_space<hbm>>) target(%arg11 : memref<80x128xf32, #tpu.memory_space<vmem>>) offsets(%dma_start3A_266 : memref<80xi32, #tpu.memory_space<vmem>>) semaphore(%arg19 : memref<!tpu.dma_semaphore, #tpu.memory_space<semaphore_mem>>)
        %dma_start3A_270 = tpu.memref_slice %arg9[%mul3A_265] : memref<10000xi32, #tpu.memory_space<vmem>> -> memref<80xi32, #tpu.memory_space<vmem>>
        %dma_start3A_271 = arith.constant 0 : i32
        %dma_start3A_272 = arith.constant 0 : i32
        %dma_start3A_273 = tpu.memref_slice %arg3[%dma_start3A_271, %dma_start3A_272] : memref<10240x128xf32, #tpu.memory_space<hbm>> -> memref<10240x128xf32, #tpu.memory_space<hbm>>
        tpu.enqueue_indirect_dma source(%dma_start3A_273 : memref<10240x128xf32, #tpu.memory_space<hbm>>) target(%arg15 : memref<80x128xf32, #tpu.memory_space<vmem>>) offsets(%dma_start3A_270 : memref<80xi32, #tpu.memory_space<vmem>>) semaphore(%arg23 : memref<!tpu.dma_semaphore, #tpu.memory_space<semaphore_mem>>)
      } else {
      }
      %mul3A_157 = arith.constant 4 : i32
      %mul3A_158 = arith.muli %mul3A_157, %scan3A_124 : i32
      %add3A_159 = arith.constant 1 : i32
      %add3A_160 = arith.addi %mul3A_158, %add3A_159 : i32
      %mul3A_161 = arith.constant 80 : i32
      %mul3A_162 = arith.muli %add3A_160, %mul3A_161 : i32
      %dma_wait3A_163 = arith.constant 0 : i32
      %dma_wait3A_164 = arith.constant 0 : i32
      %dma_wait3A_165 = tpu.memref_slice %arg2[%dma_wait3A_163, %dma_wait3A_164] : memref<10240x128xf32, #tpu.memory_space<hbm>> -> memref<80x128xf32, #tpu.memory_space<hbm>>
      %dma_wait3A_166 = arith.constant 0 : i32
      %dma_wait3A_167 = arith.constant 0 : i32
      %dma_wait3A_168 = tpu.memref_slice %arg2[%dma_wait3A_166, %dma_wait3A_167] : memref<10240x128xf32, #tpu.memory_space<hbm>> -> memref<80x128xf32, #tpu.memory_space<hbm>>
      tpu.wait_dma2 semaphore(%arg20 : memref<!tpu.dma_semaphore, #tpu.memory_space<semaphore_mem>>) src(%dma_wait3A_168 : memref<80x128xf32, #tpu.memory_space<hbm>>) dst(%arg12 : memref<80x128xf32, #tpu.memory_space<vmem>>)
      %dma_wait3A_169 = arith.constant 0 : i32
      %dma_wait3A_170 = arith.constant 0 : i32
      %dma_wait3A_171 = tpu.memref_slice %arg3[%dma_wait3A_169, %dma_wait3A_170] : memref<10240x128xf32, #tpu.memory_space<hbm>> -> memref<80x128xf32, #tpu.memory_space<hbm>>
      %dma_wait3A_172 = arith.constant 0 : i32
      %dma_wait3A_173 = arith.constant 0 : i32
      %dma_wait3A_174 = tpu.memref_slice %arg3[%dma_wait3A_172, %dma_wait3A_173] : memref<10240x128xf32, #tpu.memory_space<hbm>> -> memref<80x128xf32, #tpu.memory_space<hbm>>
      tpu.wait_dma2 semaphore(%arg24 : memref<!tpu.dma_semaphore, #tpu.memory_space<semaphore_mem>>) src(%dma_wait3A_174 : memref<80x128xf32, #tpu.memory_space<hbm>>) dst(%arg16 : memref<80x128xf32, #tpu.memory_space<vmem>>)
      %ge3A_175 = arith.constant 4 : i32
      %ge3A_176 = arith.cmpi sge, %add3A_160, %ge3A_175 : i32
      %convert_element_type3A_177 = arith.extui %ge3A_176 : i1 to i32
      %cond3A_178 = arith.constant 0 : i32
      %cond3A_179 = arith.cmpi ne, %convert_element_type3A_177, %cond3A_178 : i32
      scf.if %cond3A_179 {
        %dma_wait3A_262 = arith.constant 0 : i32
        %dma_wait3A_263 = arith.constant 0 : i32
        %dma_wait3A_264 = tpu.memref_slice %arg7[%dma_wait3A_262, %dma_wait3A_263] : memref<320000x128xf32, #tpu.memory_space<hbm>> -> memref<80x128xf32, #tpu.memory_space<hbm>>
        %dma_wait3A_265 = arith.constant 0 : i32
        %dma_wait3A_266 = arith.constant 0 : i32
        %dma_wait3A_267 = tpu.memref_slice %arg7[%dma_wait3A_265, %dma_wait3A_266] : memref<320000x128xf32, #tpu.memory_space<hbm>> -> memref<80x128xf32, #tpu.memory_space<hbm>>
        tpu.wait_dma2 semaphore(%arg28 : memref<!tpu.dma_semaphore, #tpu.memory_space<semaphore_mem>>) src(%arg12 : memref<80x128xf32, #tpu.memory_space<vmem>>) dst(%dma_wait3A_267 : memref<80x128xf32, #tpu.memory_space<hbm>>)
      } else {
      }
      %add3A_180 = arith.addi %mul3A_2, %mul3A_162 : i32
      %dma_start3A_181 = arith.constant 0 : i32
      %dma_start3A_182 = tpu.memref_slice %arg7[%add3A_180, %dma_start3A_181] : memref<320000x128xf32, #tpu.memory_space<hbm>> -> memref<80x128xf32, #tpu.memory_space<hbm>>
      %dma_start3A_183 = arith.constant 0 : i32
      %dma_start3A_184 = tpu.memref_slice %arg7[%add3A_180, %dma_start3A_183] : memref<320000x128xf32, #tpu.memory_space<hbm>> -> memref<80x128xf32, #tpu.memory_space<hbm>>
      tpu.enqueue_dma source(%arg12 : memref<80x128xf32, #tpu.memory_space<vmem>>) target(%dma_start3A_184 : memref<80x128xf32, #tpu.memory_space<hbm>>) target_semaphore(%arg28 : memref<!tpu.dma_semaphore, #tpu.memory_space<semaphore_mem>>)
      %add3A_185 = arith.constant 4 : i32
      %add3A_186 = arith.addi %add3A_160, %add3A_185 : i32
      %lt3A_187 = arith.constant 125 : i32
      %lt3A_188 = arith.cmpi slt, %add3A_186, %lt3A_187 : i32
      %convert_element_type3A_189 = arith.extui %lt3A_188 : i1 to i32
      %cond3A_190 = arith.constant 0 : i32
      %cond3A_191 = arith.cmpi ne, %convert_element_type3A_189, %cond3A_190 : i32
      scf.if %cond3A_191 {
        %add3A_262 = arith.constant 4 : i32
        %add3A_263 = arith.addi %add3A_160, %add3A_262 : i32
        %mul3A_264 = arith.constant 80 : i32
        %mul3A_265 = arith.muli %add3A_263, %mul3A_264 : i32
        %dma_start3A_266 = tpu.memref_slice %arg8[%mul3A_265] : memref<10000xi32, #tpu.memory_space<vmem>> -> memref<80xi32, #tpu.memory_space<vmem>>
        %dma_start3A_267 = arith.constant 0 : i32
        %dma_start3A_268 = arith.constant 0 : i32
        %dma_start3A_269 = tpu.memref_slice %arg2[%dma_start3A_267, %dma_start3A_268] : memref<10240x128xf32, #tpu.memory_space<hbm>> -> memref<10240x128xf32, #tpu.memory_space<hbm>>
        tpu.enqueue_indirect_dma source(%dma_start3A_269 : memref<10240x128xf32, #tpu.memory_space<hbm>>) target(%arg12 : memref<80x128xf32, #tpu.memory_space<vmem>>) offsets(%dma_start3A_266 : memref<80xi32, #tpu.memory_space<vmem>>) semaphore(%arg20 : memref<!tpu.dma_semaphore, #tpu.memory_space<semaphore_mem>>)
        %dma_start3A_270 = tpu.memref_slice %arg9[%mul3A_265] : memref<10000xi32, #tpu.memory_space<vmem>> -> memref<80xi32, #tpu.memory_space<vmem>>
        %dma_start3A_271 = arith.constant 0 : i32
        %dma_start3A_272 = arith.constant 0 : i32
        %dma_start3A_273 = tpu.memref_slice %arg3[%dma_start3A_271, %dma_start3A_272] : memref<10240x128xf32, #tpu.memory_space<hbm>> -> memref<10240x128xf32, #tpu.memory_space<hbm>>
        tpu.enqueue_indirect_dma source(%dma_start3A_273 : memref<10240x128xf32, #tpu.memory_space<hbm>>) target(%arg16 : memref<80x128xf32, #tpu.memory_space<vmem>>) offsets(%dma_start3A_270 : memref<80xi32, #tpu.memory_space<vmem>>) semaphore(%arg24 : memref<!tpu.dma_semaphore, #tpu.memory_space<semaphore_mem>>)
      } else {
      }
      %mul3A_192 = arith.constant 4 : i32
      %mul3A_193 = arith.muli %mul3A_192, %scan3A_124 : i32
      %add3A_194 = arith.constant 2 : i32
      %add3A_195 = arith.addi %mul3A_193, %add3A_194 : i32
      %mul3A_196 = arith.constant 80 : i32
      %mul3A_197 = arith.muli %add3A_195, %mul3A_196 : i32
      %dma_wait3A_198 = arith.constant 0 : i32
      %dma_wait3A_199 = arith.constant 0 : i32
      %dma_wait3A_200 = tpu.memref_slice %arg2[%dma_wait3A_198, %dma_wait3A_199] : memref<10240x128xf32, #tpu.memory_space<hbm>> -> memref<80x128xf32, #tpu.memory_space<hbm>>
      %dma_wait3A_201 = arith.constant 0 : i32
      %dma_wait3A_202 = arith.constant 0 : i32
      %dma_wait3A_203 = tpu.memref_slice %arg2[%dma_wait3A_201, %dma_wait3A_202] : memref<10240x128xf32, #tpu.memory_space<hbm>> -> memref<80x128xf32, #tpu.memory_space<hbm>>
      tpu.wait_dma2 semaphore(%arg21 : memref<!tpu.dma_semaphore, #tpu.memory_space<semaphore_mem>>) src(%dma_wait3A_203 : memref<80x128xf32, #tpu.memory_space<hbm>>) dst(%arg13 : memref<80x128xf32, #tpu.memory_space<vmem>>)
      %dma_wait3A_204 = arith.constant 0 : i32
      %dma_wait3A_205 = arith.constant 0 : i32
      %dma_wait3A_206 = tpu.memref_slice %arg3[%dma_wait3A_204, %dma_wait3A_205] : memref<10240x128xf32, #tpu.memory_space<hbm>> -> memref<80x128xf32, #tpu.memory_space<hbm>>
      %dma_wait3A_207 = arith.constant 0 : i32
      %dma_wait3A_208 = arith.constant 0 : i32
      %dma_wait3A_209 = tpu.memref_slice %arg3[%dma_wait3A_207, %dma_wait3A_208] : memref<10240x128xf32, #tpu.memory_space<hbm>> -> memref<80x128xf32, #tpu.memory_space<hbm>>
      tpu.wait_dma2 semaphore(%arg25 : memref<!tpu.dma_semaphore, #tpu.memory_space<semaphore_mem>>) src(%dma_wait3A_209 : memref<80x128xf32, #tpu.memory_space<hbm>>) dst(%arg17 : memref<80x128xf32, #tpu.memory_space<vmem>>)
      %ge3A_210 = arith.constant 4 : i32
      %ge3A_211 = arith.cmpi sge, %add3A_195, %ge3A_210 : i32
      %convert_element_type3A_212 = arith.extui %ge3A_211 : i1 to i32
      %cond3A_213 = arith.constant 0 : i32
      %cond3A_214 = arith.cmpi ne, %convert_element_type3A_212, %cond3A_213 : i32
      scf.if %cond3A_214 {
        %dma_wait3A_262 = arith.constant 0 : i32
        %dma_wait3A_263 = arith.constant 0 : i32
        %dma_wait3A_264 = tpu.memref_slice %arg7[%dma_wait3A_262, %dma_wait3A_263] : memref<320000x128xf32, #tpu.memory_space<hbm>> -> memref<80x128xf32, #tpu.memory_space<hbm>>
        %dma_wait3A_265 = arith.constant 0 : i32
        %dma_wait3A_266 = arith.constant 0 : i32
        %dma_wait3A_267 = tpu.memref_slice %arg7[%dma_wait3A_265, %dma_wait3A_266] : memref<320000x128xf32, #tpu.memory_space<hbm>> -> memref<80x128xf32, #tpu.memory_space<hbm>>
        tpu.wait_dma2 semaphore(%arg29 : memref<!tpu.dma_semaphore, #tpu.memory_space<semaphore_mem>>) src(%arg13 : memref<80x128xf32, #tpu.memory_space<vmem>>) dst(%dma_wait3A_267 : memref<80x128xf32, #tpu.memory_space<hbm>>)
      } else {
      }
      %add3A_215 = arith.addi %mul3A_2, %mul3A_197 : i32
      %dma_start3A_216 = arith.constant 0 : i32
      %dma_start3A_217 = tpu.memref_slice %arg7[%add3A_215, %dma_start3A_216] : memref<320000x128xf32, #tpu.memory_space<hbm>> -> memref<80x128xf32, #tpu.memory_space<hbm>>
      %dma_start3A_218 = arith.constant 0 : i32
      %dma_start3A_219 = tpu.memref_slice %arg7[%add3A_215, %dma_start3A_218] : memref<320000x128xf32, #tpu.memory_space<hbm>> -> memref<80x128xf32, #tpu.memory_space<hbm>>
      tpu.enqueue_dma source(%arg13 : memref<80x128xf32, #tpu.memory_space<vmem>>) target(%dma_start3A_219 : memref<80x128xf32, #tpu.memory_space<hbm>>) target_semaphore(%arg29 : memref<!tpu.dma_semaphore, #tpu.memory_space<semaphore_mem>>)
      %add3A_220 = arith.constant 4 : i32
      %add3A_221 = arith.addi %add3A_195, %add3A_220 : i32
      %lt3A_222 = arith.constant 125 : i32
      %lt3A_223 = arith.cmpi slt, %add3A_221, %lt3A_222 : i32
      %convert_element_type3A_224 = arith.extui %lt3A_223 : i1 to i32
      %cond3A_225 = arith.constant 0 : i32
      %cond3A_226 = arith.cmpi ne, %convert_element_type3A_224, %cond3A_225 : i32
      scf.if %cond3A_226 {
        %add3A_262 = arith.constant 4 : i32
        %add3A_263 = arith.addi %add3A_195, %add3A_262 : i32
        %mul3A_264 = arith.constant 80 : i32
        %mul3A_265 = arith.muli %add3A_263, %mul3A_264 : i32
        %dma_start3A_266 = tpu.memref_slice %arg8[%mul3A_265] : memref<10000xi32, #tpu.memory_space<vmem>> -> memref<80xi32, #tpu.memory_space<vmem>>
        %dma_start3A_267 = arith.constant 0 : i32
        %dma_start3A_268 = arith.constant 0 : i32
        %dma_start3A_269 = tpu.memref_slice %arg2[%dma_start3A_267, %dma_start3A_268] : memref<10240x128xf32, #tpu.memory_space<hbm>> -> memref<10240x128xf32, #tpu.memory_space<hbm>>
        tpu.enqueue_indirect_dma source(%dma_start3A_269 : memref<10240x128xf32, #tpu.memory_space<hbm>>) target(%arg13 : memref<80x128xf32, #tpu.memory_space<vmem>>) offsets(%dma_start3A_266 : memref<80xi32, #tpu.memory_space<vmem>>) semaphore(%arg21 : memref<!tpu.dma_semaphore, #tpu.memory_space<semaphore_mem>>)
        %dma_start3A_270 = tpu.memref_slice %arg9[%mul3A_265] : memref<10000xi32, #tpu.memory_space<vmem>> -> memref<80xi32, #tpu.memory_space<vmem>>
        %dma_start3A_271 = arith.constant 0 : i32
        %dma_start3A_272 = arith.constant 0 : i32
        %dma_start3A_273 = tpu.memref_slice %arg3[%dma_start3A_271, %dma_start3A_272] : memref<10240x128xf32, #tpu.memory_space<hbm>> -> memref<10240x128xf32, #tpu.memory_space<hbm>>
        tpu.enqueue_indirect_dma source(%dma_start3A_273 : memref<10240x128xf32, #tpu.memory_space<hbm>>) target(%arg17 : memref<80x128xf32, #tpu.memory_space<vmem>>) offsets(%dma_start3A_270 : memref<80xi32, #tpu.memory_space<vmem>>) semaphore(%arg25 : memref<!tpu.dma_semaphore, #tpu.memory_space<semaphore_mem>>)
      } else {
      }
      %mul3A_227 = arith.constant 4 : i32
      %mul3A_228 = arith.muli %mul3A_227, %scan3A_124 : i32
      %add3A_229 = arith.constant 3 : i32
      %add3A_230 = arith.addi %mul3A_228, %add3A_229 : i32
      %mul3A_231 = arith.constant 80 : i32
      %mul3A_232 = arith.muli %add3A_230, %mul3A_231 : i32
      %dma_wait3A_233 = arith.constant 0 : i32
      %dma_wait3A_234 = arith.constant 0 : i32
      %dma_wait3A_235 = tpu.memref_slice %arg2[%dma_wait3A_233, %dma_wait3A_234] : memref<10240x128xf32, #tpu.memory_space<hbm>> -> memref<80x128xf32, #tpu.memory_space<hbm>>
      %dma_wait3A_236 = arith.constant 0 : i32
      %dma_wait3A_237 = arith.constant 0 : i32
      %dma_wait3A_238 = tpu.memref_slice %arg2[%dma_wait3A_236, %dma_wait3A_237] : memref<10240x128xf32, #tpu.memory_space<hbm>> -> memref<80x128xf32, #tpu.memory_space<hbm>>
      tpu.wait_dma2 semaphore(%arg22 : memref<!tpu.dma_semaphore, #tpu.memory_space<semaphore_mem>>) src(%dma_wait3A_238 : memref<80x128xf32, #tpu.memory_space<hbm>>) dst(%arg14 : memref<80x128xf32, #tpu.memory_space<vmem>>)
      %dma_wait3A_239 = arith.constant 0 : i32
      %dma_wait3A_240 = arith.constant 0 : i32
      %dma_wait3A_241 = tpu.memref_slice %arg3[%dma_wait3A_239, %dma_wait3A_240] : memref<10240x128xf32, #tpu.memory_space<hbm>> -> memref<80x128xf32, #tpu.memory_space<hbm>>
      %dma_wait3A_242 = arith.constant 0 : i32
      %dma_wait3A_243 = arith.constant 0 : i32
      %dma_wait3A_244 = tpu.memref_slice %arg3[%dma_wait3A_242, %dma_wait3A_243] : memref<10240x128xf32, #tpu.memory_space<hbm>> -> memref<80x128xf32, #tpu.memory_space<hbm>>
      tpu.wait_dma2 semaphore(%arg26 : memref<!tpu.dma_semaphore, #tpu.memory_space<semaphore_mem>>) src(%dma_wait3A_244 : memref<80x128xf32, #tpu.memory_space<hbm>>) dst(%arg18 : memref<80x128xf32, #tpu.memory_space<vmem>>)
      %ge3A_245 = arith.constant 4 : i32
      %ge3A_246 = arith.cmpi sge, %add3A_230, %ge3A_245 : i32
      %convert_element_type3A_247 = arith.extui %ge3A_246 : i1 to i32
      %cond3A_248 = arith.constant 0 : i32
      %cond3A_249 = arith.cmpi ne, %convert_element_type3A_247, %cond3A_248 : i32
      scf.if %cond3A_249 {
        %dma_wait3A_262 = arith.constant 0 : i32
        %dma_wait3A_263 = arith.constant 0 : i32
        %dma_wait3A_264 = tpu.memref_slice %arg7[%dma_wait3A_262, %dma_wait3A_263] : memref<320000x128xf32, #tpu.memory_space<hbm>> -> memref<80x128xf32, #tpu.memory_space<hbm>>
        %dma_wait3A_265 = arith.constant 0 : i32
        %dma_wait3A_266 = arith.constant 0 : i32
        %dma_wait3A_267 = tpu.memref_slice %arg7[%dma_wait3A_265, %dma_wait3A_266] : memref<320000x128xf32, #tpu.memory_space<hbm>> -> memref<80x128xf32, #tpu.memory_space<hbm>>
        tpu.wait_dma2 semaphore(%arg30 : memref<!tpu.dma_semaphore, #tpu.memory_space<semaphore_mem>>) src(%arg14 : memref<80x128xf32, #tpu.memory_space<vmem>>) dst(%dma_wait3A_267 : memref<80x128xf32, #tpu.memory_space<hbm>>)
      } else {
      }
      %add3A_250 = arith.addi %mul3A_2, %mul3A_232 : i32
      %dma_start3A_251 = arith.constant 0 : i32
      %dma_start3A_252 = tpu.memref_slice %arg7[%add3A_250, %dma_start3A_251] : memref<320000x128xf32, #tpu.memory_space<hbm>> -> memref<80x128xf32, #tpu.memory_space<hbm>>
      %dma_start3A_253 = arith.constant 0 : i32
      %dma_start3A_254 = tpu.memref_slice %arg7[%add3A_250, %dma_start3A_253] : memref<320000x128xf32, #tpu.memory_space<hbm>> -> memref<80x128xf32, #tpu.memory_space<hbm>>
      tpu.enqueue_dma source(%arg14 : memref<80x128xf32, #tpu.memory_space<vmem>>) target(%dma_start3A_254 : memref<80x128xf32, #tpu.memory_space<hbm>>) target_semaphore(%arg30 : memref<!tpu.dma_semaphore, #tpu.memory_space<semaphore_mem>>)
      %add3A_255 = arith.constant 4 : i32
      %add3A_256 = arith.addi %add3A_230, %add3A_255 : i32
      %lt3A_257 = arith.constant 125 : i32
      %lt3A_258 = arith.cmpi slt, %add3A_256, %lt3A_257 : i32
      %convert_element_type3A_259 = arith.extui %lt3A_258 : i1 to i32
      %cond3A_260 = arith.constant 0 : i32
      %cond3A_261 = arith.cmpi ne, %convert_element_type3A_259, %cond3A_260 : i32
      scf.if %cond3A_261 {
        %add3A_262 = arith.constant 4 : i32
        %add3A_263 = arith.addi %add3A_230, %add3A_262 : i32
        %mul3A_264 = arith.constant 80 : i32
        %mul3A_265 = arith.muli %add3A_263, %mul3A_264 : i32
        %dma_start3A_266 = tpu.memref_slice %arg8[%mul3A_265] : memref<10000xi32, #tpu.memory_space<vmem>> -> memref<80xi32, #tpu.memory_space<vmem>>
        %dma_start3A_267 = arith.constant 0 : i32
        %dma_start3A_268 = arith.constant 0 : i32
        %dma_start3A_269 = tpu.memref_slice %arg2[%dma_start3A_267, %dma_start3A_268] : memref<10240x128xf32, #tpu.memory_space<hbm>> -> memref<10240x128xf32, #tpu.memory_space<hbm>>
        tpu.enqueue_indirect_dma source(%dma_start3A_269 : memref<10240x128xf32, #tpu.memory_space<hbm>>) target(%arg14 : memref<80x128xf32, #tpu.memory_space<vmem>>) offsets(%dma_start3A_266 : memref<80xi32, #tpu.memory_space<vmem>>) semaphore(%arg22 : memref<!tpu.dma_semaphore, #tpu.memory_space<semaphore_mem>>)
        %dma_start3A_270 = tpu.memref_slice %arg9[%mul3A_265] : memref<10000xi32, #tpu.memory_space<vmem>> -> memref<80xi32, #tpu.memory_space<vmem>>
        %dma_start3A_271 = arith.constant 0 : i32
        %dma_start3A_272 = arith.constant 0 : i32
        %dma_start3A_273 = tpu.memref_slice %arg3[%dma_start3A_271, %dma_start3A_272] : memref<10240x128xf32, #tpu.memory_space<hbm>> -> memref<10240x128xf32, #tpu.memory_space<hbm>>
        tpu.enqueue_indirect_dma source(%dma_start3A_273 : memref<10240x128xf32, #tpu.memory_space<hbm>>) target(%arg18 : memref<80x128xf32, #tpu.memory_space<vmem>>) offsets(%dma_start3A_270 : memref<80xi32, #tpu.memory_space<vmem>>) semaphore(%arg26 : memref<!tpu.dma_semaphore, #tpu.memory_space<semaphore_mem>>)
      } else {
      }
    }
    %scan3A_76 = arith.constant 31 : i32
    %dma_wait3A = arith.constant 0 : i32
    %dma_wait3A_77 = arith.constant 0 : i32
    %dma_wait3A_78 = tpu.memref_slice %arg2[%dma_wait3A, %dma_wait3A_77] : memref<10240x128xf32, #tpu.memory_space<hbm>> -> memref<80x128xf32, #tpu.memory_space<hbm>>
    %dma_wait3A_79 = arith.constant 0 : i32
    %dma_wait3A_80 = arith.constant 0 : i32
    %dma_wait3A_81 = tpu.memref_slice %arg2[%dma_wait3A_79, %dma_wait3A_80] : memref<10240x128xf32, #tpu.memory_space<hbm>> -> memref<80x128xf32, #tpu.memory_space<hbm>>
    tpu.wait_dma2 semaphore(%arg19 : memref<!tpu.dma_semaphore, #tpu.memory_space<semaphore_mem>>) src(%dma_wait3A_81 : memref<80x128xf32, #tpu.memory_space<hbm>>) dst(%arg11 : memref<80x128xf32, #tpu.memory_space<vmem>>)
    %dma_wait3A_82 = arith.constant 0 : i32
    %dma_wait3A_83 = arith.constant 0 : i32
    %dma_wait3A_84 = tpu.memref_slice %arg3[%dma_wait3A_82, %dma_wait3A_83] : memref<10240x128xf32, #tpu.memory_space<hbm>> -> memref<80x128xf32, #tpu.memory_space<hbm>>
    %dma_wait3A_85 = arith.constant 0 : i32
    %dma_wait3A_86 = arith.constant 0 : i32
    %dma_wait3A_87 = tpu.memref_slice %arg3[%dma_wait3A_85, %dma_wait3A_86] : memref<10240x128xf32, #tpu.memory_space<hbm>> -> memref<80x128xf32, #tpu.memory_space<hbm>>
    tpu.wait_dma2 semaphore(%arg23 : memref<!tpu.dma_semaphore, #tpu.memory_space<semaphore_mem>>) src(%dma_wait3A_87 : memref<80x128xf32, #tpu.memory_space<hbm>>) dst(%arg15 : memref<80x128xf32, #tpu.memory_space<vmem>>)
    %dma_wait3A_88 = arith.constant 0 : i32
    %dma_wait3A_89 = arith.constant 0 : i32
    %dma_wait3A_90 = tpu.memref_slice %arg7[%dma_wait3A_88, %dma_wait3A_89] : memref<320000x128xf32, #tpu.memory_space<hbm>> -> memref<80x128xf32, #tpu.memory_space<hbm>>
    %dma_wait3A_91 = arith.constant 0 : i32
    %dma_wait3A_92 = arith.constant 0 : i32
    %dma_wait3A_93 = tpu.memref_slice %arg7[%dma_wait3A_91, %dma_wait3A_92] : memref<320000x128xf32, #tpu.memory_space<hbm>> -> memref<80x128xf32, #tpu.memory_space<hbm>>
    tpu.wait_dma2 semaphore(%arg27 : memref<!tpu.dma_semaphore, #tpu.memory_space<semaphore_mem>>) src(%arg11 : memref<80x128xf32, #tpu.memory_space<vmem>>) dst(%dma_wait3A_93 : memref<80x128xf32, #tpu.memory_space<hbm>>)
    %add3A_94 = arith.constant 9920 : i32
    %add3A_95 = arith.addi %mul3A_2, %add3A_94 : i32
    %dma_start3A_96 = arith.constant 0 : i32
    %dma_start3A_97 = tpu.memref_slice %arg7[%add3A_95, %dma_start3A_96] : memref<320000x128xf32, #tpu.memory_space<hbm>> -> memref<80x128xf32, #tpu.memory_space<hbm>>
    %dma_start3A_98 = arith.constant 0 : i32
    %dma_start3A_99 = tpu.memref_slice %arg7[%add3A_95, %dma_start3A_98] : memref<320000x128xf32, #tpu.memory_space<hbm>> -> memref<80x128xf32, #tpu.memory_space<hbm>>
    tpu.enqueue_dma source(%arg11 : memref<80x128xf32, #tpu.memory_space<vmem>>) target(%dma_start3A_99 : memref<80x128xf32, #tpu.memory_space<hbm>>) target_semaphore(%arg27 : memref<!tpu.dma_semaphore, #tpu.memory_space<semaphore_mem>>)
    %dma_wait3A_100 = arith.constant 0 : i32
    %dma_wait3A_101 = arith.constant 0 : i32
    %dma_wait3A_102 = tpu.memref_slice %arg7[%dma_wait3A_100, %dma_wait3A_101] : memref<320000x128xf32, #tpu.memory_space<hbm>> -> memref<80x128xf32, #tpu.memory_space<hbm>>
    %dma_wait3A_103 = arith.constant 0 : i32
    %dma_wait3A_104 = arith.constant 0 : i32
    %dma_wait3A_105 = tpu.memref_slice %arg7[%dma_wait3A_103, %dma_wait3A_104] : memref<320000x128xf32, #tpu.memory_space<hbm>> -> memref<80x128xf32, #tpu.memory_space<hbm>>
    tpu.wait_dma2 semaphore(%arg27 : memref<!tpu.dma_semaphore, #tpu.memory_space<semaphore_mem>>) src(%arg11 : memref<80x128xf32, #tpu.memory_space<vmem>>) dst(%dma_wait3A_105 : memref<80x128xf32, #tpu.memory_space<hbm>>)
    %dma_wait3A_106 = arith.constant 0 : i32
    %dma_wait3A_107 = arith.constant 0 : i32
    %dma_wait3A_108 = tpu.memref_slice %arg7[%dma_wait3A_106, %dma_wait3A_107] : memref<320000x128xf32, #tpu.memory_space<hbm>> -> memref<80x128xf32, #tpu.memory_space<hbm>>
    %dma_wait3A_109 = arith.constant 0 : i32
    %dma_wait3A_110 = arith.constant 0 : i32
    %dma_wait3A_111 = tpu.memref_slice %arg7[%dma_wait3A_109, %dma_wait3A_110] : memref<320000x128xf32, #tpu.memory_space<hbm>> -> memref<80x128xf32, #tpu.memory_space<hbm>>
    tpu.wait_dma2 semaphore(%arg28 : memref<!tpu.dma_semaphore, #tpu.memory_space<semaphore_mem>>) src(%arg12 : memref<80x128xf32, #tpu.memory_space<vmem>>) dst(%dma_wait3A_111 : memref<80x128xf32, #tpu.memory_space<hbm>>)
    %dma_wait3A_112 = arith.constant 0 : i32
    %dma_wait3A_113 = arith.constant 0 : i32
    %dma_wait3A_114 = tpu.memref_slice %arg7[%dma_wait3A_112, %dma_wait3A_113] : memref<320000x128xf32, #tpu.memory_space<hbm>> -> memref<80x128xf32, #tpu.memory_space<hbm>>
    %dma_wait3A_115 = arith.constant 0 : i32
    %dma_wait3A_116 = arith.constant 0 : i32
    %dma_wait3A_117 = tpu.memref_slice %arg7[%dma_wait3A_115, %dma_wait3A_116] : memref<320000x128xf32, #tpu.memory_space<hbm>> -> memref<80x128xf32, #tpu.memory_space<hbm>>
    tpu.wait_dma2 semaphore(%arg29 : memref<!tpu.dma_semaphore, #tpu.memory_space<semaphore_mem>>) src(%arg13 : memref<80x128xf32, #tpu.memory_space<vmem>>) dst(%dma_wait3A_117 : memref<80x128xf32, #tpu.memory_space<hbm>>)
    %dma_wait3A_118 = arith.constant 0 : i32
    %dma_wait3A_119 = arith.constant 0 : i32
    %dma_wait3A_120 = tpu.memref_slice %arg7[%dma_wait3A_118, %dma_wait3A_119] : memref<320000x128xf32, #tpu.memory_space<hbm>> -> memref<80x128xf32, #tpu.memory_space<hbm>>
    %dma_wait3A_121 = arith.constant 0 : i32
    %dma_wait3A_122 = arith.constant 0 : i32
    %dma_wait3A_123 = tpu.memref_slice %arg7[%dma_wait3A_121, %dma_wait3A_122] : memref<320000x128xf32, #tpu.memory_space<hbm>> -> memref<80x128xf32, #tpu.memory_space<hbm>>
    tpu.wait_dma2 semaphore(%arg30 : memref<!tpu.dma_semaphore, #tpu.memory_space<semaphore_mem>>) src(%arg14 : memref<80x128xf32, #tpu.memory_space<vmem>>) dst(%dma_wait3A_123 : memref<80x128xf32, #tpu.memory_space<hbm>>)
    return
  }
}

module attributes {stable_mosaic.version = 14 : i64} {
  func.func @_mm_kernel(%arg0: i32, %arg1: memref<1024x128xf32, #tpu.memory_space<vmem>>, %arg2: memref<128x128xf32, #tpu.memory_space<vmem>>, %arg3: memref<128x128xf32, #tpu.memory_space<vmem>>, %arg4: memref<1024x128xf32, #tpu.memory_space<vmem>>, %arg5: memref<1024x128xf32, #tpu.memory_space<vmem>>) attributes {dimension_semantics = [#tpu.dimension_semantics<arbitrary>], iteration_bounds = array<i64: 10>, scalar_prefetch = 0 : i64, scratch_operands = 0 : i64, tpu.core_type = #tpu.core_type<tc>, window_params = [{transform_indices = @transform_0, window_bounds = array<i64: 1024, 128>}, {pipeline_mode = #tpu.pipeline_mode<synchronous>, transform_indices = @transform_1, window_bounds = array<i64: 128, 128>}, {pipeline_mode = #tpu.pipeline_mode<synchronous>, transform_indices = @transform_2, window_bounds = array<i64: 128, 128>}, {transform_indices = @transform_3, window_bounds = array<i64: 1024, 128>}, {transform_indices = @transform_4, window_bounds = array<i64: 1024, 128>}]} {
    %get3A = arith.constant 0 : index
    %get3A_0 = arith.constant 0 : index
    %get3A_1 = vector.load %arg1[%get3A, %get3A_0] : memref<1024x128xf32, #tpu.memory_space<vmem>>, vector<1024x128xf32>
    %get3A_2 = arith.constant 0 : index
    %get3A_3 = arith.constant 0 : index
    %get3A_4 = vector.load %arg2[%get3A_2, %get3A_3] : memref<128x128xf32, #tpu.memory_space<vmem>>, vector<128x128xf32>
    %dot_general3A = arith.constant dense<0.000000e+00> : vector<1024x128xf32>
    %dot_general3A_5 = tpu.matmul %get3A_1, %get3A_4, %dot_general3A {dimension_numbers = #tpu.dot_dimension_numbers<[1], [0], [0], [1], [0, 0, 1, 1], [], []>, transpose_lhs_hint = false} : vector<1024x128xf32>, vector<128x128xf32>, vector<1024x128xf32> -> vector<1024x128xf32>
    %swap3A = arith.constant 0 : index
    %swap3A_6 = arith.constant 0 : index
    %swap3A_7 = vector.load %arg4[%swap3A, %swap3A_6] : memref<1024x128xf32, #tpu.memory_space<vmem>>, vector<1024x128xf32>
    tpu.vector_store %arg4[%swap3A, %swap3A_6], %dot_general3A_5 {strides = array<i32>} : memref<1024x128xf32, #tpu.memory_space<vmem>>, vector<1024x128xf32>,
    %get3A_8 = arith.constant 0 : index
    %get3A_9 = arith.constant 0 : index
    %get3A_10 = vector.load %arg3[%get3A_8, %get3A_9] : memref<128x128xf32, #tpu.memory_space<vmem>>, vector<128x128xf32>
    %dot_general3A_11 = arith.constant dense<0.000000e+00> : vector<1024x128xf32>
    %dot_general3A_12 = tpu.matmul %get3A_1, %get3A_10, %dot_general3A_11 {dimension_numbers = #tpu.dot_dimension_numbers<[1], [0], [0], [1], [0, 0, 1, 1], [], []>, transpose_lhs_hint = false} : vector<1024x128xf32>, vector<128x128xf32>, vector<1024x128xf32> -> vector<1024x128xf32>
    %swap3A_13 = arith.constant 0 : index
    %swap3A_14 = arith.constant 0 : index
    %swap3A_15 = vector.load %arg5[%swap3A_13, %swap3A_14] : memref<1024x128xf32, #tpu.memory_space<vmem>>, vector<1024x128xf32>
    tpu.vector_store %arg5[%swap3A_13, %swap3A_14], %dot_general3A_12 {strides = array<i32>} : memref<1024x128xf32, #tpu.memory_space<vmem>>, vector<1024x128xf32>,
    return
  }
  func.func @transform_0(%arg0: i32) -> (i32, i32) {
    %c0_i32 = arith.constant 0 : i32
    %c0_i32_0 = arith.constant 0 : i32
    return %arg0, %c0_i32 : i32, i32
  }
  func.func @transform_1(%arg0: i32) -> (i32, i32) {
    %c0_i32 = arith.constant 0 : i32
    %c0_i32_0 = arith.constant 0 : i32
    %c0_i32_1 = arith.constant 0 : i32
    return %c0_i32, %c0_i32_0 : i32, i32
  }
  func.func @transform_2(%arg0: i32) -> (i32, i32) {
    %c0_i32 = arith.constant 0 : i32
    %c0_i32_0 = arith.constant 0 : i32
    %c0_i32_1 = arith.constant 0 : i32
    return %c0_i32, %c0_i32_0 : i32, i32
  }
  func.func @transform_3(%arg0: i32) -> (i32, i32) {
    %c0_i32 = arith.constant 0 : i32
    %c0_i32_0 = arith.constant 0 : i32
    return %arg0, %c0_i32 : i32, i32
  }
  func.func @transform_4(%arg0: i32) -> (i32, i32) {
    %c0_i32 = arith.constant 0 : i32
    %c0_i32_0 = arith.constant 0 : i32
    return %arg0, %c0_i32 : i32, i32
  }
}

</mosaic_0001>

<sc_bundles>
// kernel: kernel.4.cloned.1.call-start
scs
__scs_entry_jumppad:
0x0: {  	(pc) =	sbr.rel $0x88, $3  }
0x1: {  	(tag) =	ssettag $0x0;
	lr =	simm.s32 $0x1  }
0x2: {  	[smem:$0x3F9D] =	sst lr;
	_ =	strace $0xD0000000  }
0x3: {  	_ = 	snop  }
0x4: {  	_ = 	snop  }
0x5: {  	_ = 	snop  }
0x6: {  	_ = 	snop  }
0x7: {  	_ = 	snop  }
__scs_overlays_trampoline_lowered:
0x8: {  	[smem:$0x3FAC] =	sst s0  }
0x9: {  	[smem:$0x3FAD] =	sst s1  }
0xa: {  	[smem:$0x3FAE] =	sst s2  }
0xb: {  	[smem:$0x3FAF] =	sst s3  }
0xc: {  	[smem:$0x3FB0] =	sst s4  }
0xd: {  	[smem:$0x3FB1] =	sst s5  }
0xe: {  	[smem:$0x3FB2] =	sst s6  }
0xf: {  	[smem:$0x3FB3] =	sst s7  }
0x10: {  	[smem:$0x3FB4] =	sst s8  }
0x11: {  	[smem:$0x3FB5] =	sst s9;
	s0 =	simm.s32 @!p0 $0x0  }
0x12: {  	s1 =	sld [smem:$0x3F9B];
	s0 =	simm.s32 @p0 $0x1  }
0x13: {  	[smem:$0x3FB6] =	sst s0;
	s0 =	simm.s32 @!p1 $0x0  }
0x14: {  	s2 =	sld [smem:$0x3F9A];
	s0 =	simm.s32 @p1 $0x1  }
0x15: {  	[smem:$0x3FB7] =	sst s0;
	s0 =	simm.s32 @!p2 $0x0  }
0x16: {  	s3 =	sld [smem:$0x3FDB];
	s0 =	simm.s32 @p2 $0x1  }
0x17: {  	s4 =	simm.s32 $0x1BF5;
	[smem:$0x3FB9] =	sst s0  }
0x18: {  	s0 =	sld [smem:$0x3F9C];
	_ =	swait.ge [sflag:s4], $0x0  }
0x19: {  	s7 =	sld [smem:$0x3F9D]  }
0x1a: {  	s8 =	sadd.s32 $0xFFFFE003, lr  }
0x1b: {  	s9 =	sadd.s32 $0xFFFFFEF7, lr;
	s5 =	simm.s32 $0xFFFFFFFF;
	p2 =	slt.u32 s8, $0xFFFFF086  }
0x1c: {  	p1 =	slt.u32 s9, $0xF7A;
	s5 =	simm.s32 @!p2 $0x0  }
0x1d: {  	s5 =	simm.s32 @p1 $0x1;
	p0 =	seq.s32 s7, s2  }
0x1e: {  	s7 =	smul.u32 @!p0 $0xF7A, s2;
	p2 =	seq.s32 @!p0 s5, $0x0  }
0x1f: {  	s9 =	smul.u32 $0xF7A, s1;
	s8 =	simm.s32 @!p0 $0x1BF5;
	p2 =	por !p2, p0  }
0x20: {  	[sflag:s8] =	ssyncset.s32 @!p0 $0xFFFFF086;
	s6 =	sadd.s32 @!p0 s3, s7;
	s7 =	simm.s32 @!p0 $0x108  }
0x21: {  	s3 =	sadd.s32 s3, s9;
	s6 =	sadd.s32 @!p0 $0x88, s6;
	s7 =	simm.s32 @p2 $0x1082  }
0x22: {  	[simem:s7], [sflag:s8] =	dma.local @!p0 [hbm:s6], $0xF7A  }
0x23: {  	s9 =	sor.u32 $0xD0000000, s2;
	s6 =	simm.s32 $0x108;
	_ =	swait.ge @!p0 [sflag:s8], $0x0  }
0x24: {  	s3 =	sadd.s32 $0x88, s3;
	s6 =	simm.s32 @!p1 $0x1082;
	[sflag:s4] =	ssyncset.s32 $0xFFFFF086  }
0x25: {  	[simem:s6], [sflag:s4] =	dma.local [hbm:s3], $0xF7A  }
0x26: {  	[smem:$0x3F9D] =	sst s1;
	(tag) =	ssettag s2;
	_ =	strace s9  }
0x27: {  	s1 =	sld [smem:$0x3FAD]  }
0x28: {  	s2 =	sld [smem:$0x3FAE]  }
0x29: {  	s4 =	sld [smem:$0x3FB0]  }
0x2a: {  	p0 =	seq.s32 s5, $0x0;
	s5 =	sld [smem:$0x3FB1]  }
0x2b: {  	s6 =	sld [smem:$0x3FB2]  }
0x2c: {  	s7 =	sld [smem:$0x3FB3]  }
0x2d: {  	s3 =	simm.s32 $0x108;
	s8 =	sld [smem:$0x3FB4]  }
0x2e: {  	s3 =	simm.s32 @!p0 $0x1082;
	s9 =	sld [smem:$0x3FB5]  }
0x2f: {  	lr =	sadd.s32 s0, s3;
	s0 =	sld [smem:$0x3FAC]  }
0x30: {  	s3 =	sld [smem:$0x3FAF]  }
0x31: {  	[smem:$0x3FB8] =	sst s10  }
0x32: {  	s10 =	sld [smem:$0x3FB6];
	_ =	sdelay $0x3  }
0x33: {  	p0 =	seq.s32 s10, $0x1;
	s10 =	sld [smem:$0x3FB8];
	_ =	sdelay $0x3  }
0x34: {  	[smem:$0x3FB8] =	sst s10  }
0x35: {  	s10 =	sld [smem:$0x3FB7];
	_ =	sdelay $0x3  }
0x36: {  	p1 =	seq.s32 s10, $0x1;
	s10 =	sld [smem:$0x3FB8];
	_ =	sdelay $0x3  }
0x37: {  	[smem:$0x3FB8] =	sst s10  }
0x38: {  	s10 =	sld [smem:$0x3FB9]  }
0x39: {  	_ = 	snop;
	(pc) =	sbr.ind lr, $3  }
0x3a: {  	_ = 	snop  }
0x3b: {  	_ = 	snop  }
0x3c: {  	p2 =	seq.s32 s10, $0x1;
	s10 =	sld [smem:$0x3FB8]  }
0x3d: {  	_ =	shalt  }
0x3e: {  	_ =	shalt  }
0x3f: {  	_ =	shalt  }
0x40: {  	_ =	shalt  }
0x41: {  	_ =	shalt  }
0x42: {  	_ =	shalt  }
0x43: {  	_ =	shalt  }
0x44: {  	_ =	shalt  }
0x45: {  	_ =	shalt  }
0x46: {  	_ =	shalt  }
0x47: {  	_ =	shalt  }
0x48: {  	_ =	shalt  }
0x49: {  	_ =	shalt  }
0x4a: {  	_ =	shalt  }
0x4b: {  	_ =	shalt  }
0x4c: {  	_ =	shalt  }
0x4d: {  	_ =	shalt  }
0x4e: {  	_ =	shalt  }
0x4f: {  	_ =	shalt  }
0x50: {  	_ =	shalt  }
0x51: {  	_ =	shalt  }
0x52: {  	_ =	shalt  }
0x53: {  	_ =	shalt  }
0x54: {  	_ =	shalt  }
0x55: {  	_ =	shalt  }
0x56: {  	_ =	shalt  }
0x57: {  	_ =	shalt  }
0x58: {  	_ =	shalt  }
0x59: {  	_ =	shalt  }
0x5a: {  	_ =	shalt  }
0x5b: {  	_ =	shalt  }
0x5c: {  	_ =	shalt  }
0x5d: {  	_ =	shalt  }
0x5e: {  	_ =	shalt  }
0x5f: {  	_ =	shalt  }
0x60: {  	_ =	shalt  }
0x61: {  	_ =	shalt  }
0x62: {  	_ =	shalt  }
0x63: {  	_ =	shalt  }
0x64: {  	_ =	shalt  }
0x65: {  	_ =	shalt  }
0x66: {  	_ =	shalt  }
0x67: {  	_ =	shalt  }
0x68: {  	_ =	shalt  }
0x69: {  	_ =	shalt  }
0x6a: {  	_ =	shalt  }
0x6b: {  	_ =	shalt  }
0x6c: {  	_ =	shalt  }
0x6d: {  	_ =	shalt  }
0x6e: {  	_ =	shalt  }
0x6f: {  	_ =	shalt  }
0x70: {  	_ =	shalt  }
0x71: {  	_ =	shalt  }
0x72: {  	_ =	shalt  }
0x73: {  	_ =	shalt  }
0x74: {  	_ =	shalt  }
0x75: {  	_ =	shalt  }
0x76: {  	_ =	shalt  }
0x77: {  	_ =	shalt  }
0x78: {  	_ =	shalt  }
0x79: {  	_ =	shalt  }
0x7a: {  	_ =	shalt  }
0x7b: {  	_ =	shalt  }
0x7c: {  	_ =	shalt  }
0x7d: {  	_ =	shalt  }
0x7e: {  	_ =	shalt  }
0x7f: {  	_ =	shalt  }
0x80: {  	_ =	shalt  }
0x81: {  	_ =	shalt  }
0x82: {  	_ =	shalt  }
0x83: {  	_ =	shalt  }
0x84: {  	_ =	shalt  }
0x85: {  	_ =	shalt  }
0x86: {  	_ =	shalt  }
0x87: {  	_ =	shalt  }
.Lfunc_end0:
.L_simem_size_0:
called_computation_lowered:
.L_overlay_start_0:
0x88: {  	s2 =	sld [smem:$0x3FD9]  }
0x89: {  	s3 =	sld [smem:$0x3FFE];
	_ =	sdelay $0x1  }
0x8a: {  	s1 =	srdreg.scid  }
0x8b: {  	s0 =	sand.u32 $0x1, s1  }
0x8c: {  	s17 =	sshll.u32 s0, $0xA;
	s2 =	sadd.s32 s3, s2  }
0x8d: {  	s2 =	sadd.s32 s2, s17  }
0x8e: {  	[smem:$0x3FC4] =	sst s2  }
0x8f: {  	_ = 	snop  }
0x90: {  	s2 =	sld [smem:$0x3FC7]  }
0x91: {  	s18 =	sld [smem:$0x3FD0];
	(tm) =	ssettm $0x1  }
0x92: {  	s4 =	sld [smem:$0x3FFB];
	_ =	sdelay $0x3  }
0x93: {  	_ =	strace s4  }
0x94: {  	s4 =	sld [smem:$0x3FFC];
	_ =	sdelay $0x3  }
0x95: {  	_ =	strace s4  }
0x96: {  	s4 =	sld [smem:$0x3FFD];
	_ =	sdelay $0x3  }
0x97: {  	_ =	strace s4  }
0x98: {  	_ =	strace $0x8FFFFFFF  }
0x99: {  	s19 =	sld [smem:$0x3FDB];
	_ =	sdelay $0x1  }
0x9a: {  	s5 =	simm.s32 $_scs_section_size  }
0x9b: {  	s6 =	simm.s32 $_size__tile_overlayer_lowered;
	s7 =	simm.s32 $_tile_overlayer_lowered  }
0x9c: {  	s22 =	simm.s32 $0x1BFF;
	s21 =	sshll.u32 s7, $0x1;
	s4 =	sadd.s32 s5, s19  }
0x9d: {  	s8 =	simm.s32 $0x0;
	s20 =	sshll.u32 s6, $0x1;
	s6 =	sadd.s32 s21, s4  }
0x9e: {  	[timem:s8], [sflag:s22] =	dma.local [hbm:s6], s20  }
0x9f: {  	_ =	swait.ge [sflag:s22], s20  }
0xa0: {  	s5 =	ssub.s32 $0x0, s20;
	[sflag:s22] =	ssyncset.done $0x0  }
0xa1: {  	[sflag:s22] =	ssyncadd.s32 s5;
	_ =	sdelay $0x1  }
0xa2: {  	s23 =	simm.s32 $0x1B8B  }
0xa3: {  	_ =	swait.ge [sflag:s23], $0x1  }
0xa4: {  	[sflag:s23] =	ssyncset.done $0x0  }
0xa5: {  	s25 =	simm.s32 $0x1B8E;
	s24 =	sld [smem:$0x3FFE];
	[sflag:s23] =	ssyncadd.s32 $0xFFFFFFFF  }
0xa6: {  	s26 =	simm.s32 $execute0_lowered;
	[smem:$0x3FD2] =	sst s25  }
0xa7: {  	s6 =	sshll.u32 s26, $0x1;
	_ =	strace $0x80000046;
	[dreg:$0x1] =	wrdreg $0xFFFFFFFF  }
0xa8: {  	s28 =	simm.s32 $_size_execute0_lowered;
	s4 =	sadd.s32 s4, s6;
	[dreg:$0x0] =	wrdreg $0x0  }
0xa9: {  	s6 =	sshll.u32 s28, $0x1;
	[dreg:$0x2] =	wrdreg s4  }
0xaa: {  	[dreg:$0x3] =	wrdreg s6  }
0xab: {  	[dreg:$0x4] =	wrdreg $0xC0  }
0xac: {  	_ =	task [dreg:s8], $0x5FFFF  }
0xad: {  	[dreg:$0x1] =	wrdreg $0xFFFFFFFF  }
0xae: {  	[dreg:$0x0] =	wrdreg $0x60  }
0xaf: {  	[dreg:$0x2] =	wrdreg s24  }
0xb0: {  	[dreg:$0x3] =	wrdreg s2  }
0xb1: {  	[dreg:$0x4] =	wrdreg s18  }
0xb2: {  	[dreg:$0x5] =	wrdreg $0x9  }
0xb3: {  	_ =	task.clear_ibuf [dreg:s8], $0x6FFFF;
	_ =	strace $0x90000046  }
0xb4: {  	s29 =	simm.s32 $0x9;
	_ =	strace $0x80000048  }
0xb5: {  	_ =	swait.ge [sflag:s29], $0x1  }
0xb6: {  	[sflag:s29] =	ssyncadd.s32 $0xFFFFFFFF  }
0xb7: {  	_ =	strace $0x90000048  }
0xb8: {  	_ =	sfence  }
0xb9: {  	s30 =	sld [smem:$0x0];
	_ =	sdelay $0x2  }
0xba: {  	s31 =	sshll.u32 s1, $0xD;
	s1 =	sshrl.u32 s1, $0x2  }
0xbb: {  	s3 =	sand.u32 $0x4000, s31;
	s1 =	sadd.s32 s1, s30  }
0xbc: {  	s0 =	sor.u32 s3, s0;
	s1 =	sshll.u32 s1, $0x11  }
0xbd: {  	s0 =	sor.u32 s1, s0  }
0xbe: {  	s0 =	sadd.s32 $0x8F2B, s0  }
0xbf: {  	[sflag:s0] =	ssyncadd.remote.s32 $0x1  }
0xc0: {  	_ =	sfence.sel $0xFFFF  }
0xc1: {  	[dreg:$0x0] =	wrdreg $0xFFFFFFFF;
	(pc) =	sbr.abs _section_cstart, $3  }
0xc2: {  	[dreg:$0x1] =	wrdreg $0xFFFFFFFF  }
0xc3: {  	_ =	task.clear_ibuf [dreg:s8], $0x2FFFF;
	_ =	strace $0x9FFFFFFF  }
0xc4: {  	(tm) =	ssettm $0x7FFFFFFF  }
0xc5: {  	_ =	shalt  }
tec
execute0_lowered:
.L_overlay_start_1:
0x0: {  	(tag) =	ssettag $0x1  }
0x1: {  	s0 =	rddreg [dreg:$0x0]  }
0x2: {  	s1 =	rddreg [dreg:$0x1]  }
0x3: {  	s2 =	srdreg.scid;
	s11 =	stileid.u32  }
0x4: {  	s5 =	rddreg [dreg:$0x2];
	s14 =	simm.s32 $0x50;
	s15 =	simm.s32 $0x7680  }
0x5: {  	s16 =	simm.s32 $0x11680;
	s17 =	simm.s32 $0x9E80;
	s28 =	simm.s32 $0x18E80  }
0x6: {  	s29 =	simm.s32 $0x1;
	s30 =	simm.s32 $0x5;
	s31 =	simm.s32 $0x2  }
0x7: {  	s13 =	simm.s32 $0x7;
	s18 =	simm.s32 $0x4;
	s19 =	simm.s32 $0x8  }
0x8: {  	s20 =	simm.s32 $0x9;
	s6 =	sand.u32 $0x1, s2;
	s3 =	sshll.u32 s11, $0x1  }
0x9: {  	s2 =	simm.s32 $0x0;
	s4 =	sadd.s32 $0x3C200, s0;
	s11 =	smul.u32 $0x4E200, s11  }
0xa: {  	s7 =	sor.u32 s6, s3;
	s9 =	ssub.s32 $0x2, s6;
	s6 =	smul.u32 $0x27100, s6  }
0xb: {  	[smem:$0x7FF] =	sst s2;
	s3 =	sadd.s32 $0x14200, s0;
	s8 =	smul.u32 $0x2710, s7  }
0xc: {  	_ =	strace $0x80000047;
	s7 =	smul.u32 $0x138800, s7;
	s10 =	sshrl.u32 s9, $0x1  }
0xd: {  	s23 =	sadd.s32 s11, s5;
	s11 =	simm.s32 $0xD;
	s9 =	ssub.s32 s9, s10  }
0xe: {  	s24 =	sadd.s32 s6, s23;
	s10 =	simm.s32 $0x2780;
	s23 =	simm.s32 $0xB  }
0xf: {  	s8 =	sshrl.u32 s8, $0x3;
	s22 =	sshrl.u32 s7, $0x3;
	s25 =	smax.u32 s9, $0x1  }
0x10: {  	s26 =	sadd.s32 $0xF00, s24;
	s24 =	simm.s32 $0xC;
	[dreg:$0x8] =	wrdreg s25  }
0x11: {  	s0 =	sadd.s32 s8, s0;
	s1 =	sadd.s32 s1, s8;
	[dreg:$0x9] =	wrdreg s26  }
.Ltmp0:
0x12: {  	s25 =	simm.s32 $0xEE80;
	s26 =	simm.s32 $0x0;
	(pc) =	sbr.rel .LBB2_1-.Ltmp0, $4  }
0x13: {  	s21 =	sadd.s32 $0xA400, s0;
	s0 =	sadd.s32 $0x600, s0;
	[dreg:$0x6] =	wrdreg s1  }
0x14: {  	s1 =	simm.s32 $0x6;
	[dreg:$0x5] =	wrdreg s0;
	s0 =	sadd.s32 s5, s22  }
0x15: {  	[dreg:$0x4] =	wrdreg s21;
	s21 =	simm.s32 $0xC680;
	s0 =	sadd.s32 $0x26C00, s0  }
0x16: {  	s22 =	simm.s32 $0xA;
	[dreg:$0x7] =	wrdreg s0;
	s0 =	simm.s32 $0x3  }
.LBB2_6:
0x17: {  	_ =	swait.ge [sflag:s29], $0x2800  }
0x18: {  	[sflag:s29] =	ssyncset.done $0x0  }
0x19: {  	[sflag:s29] =	ssyncadd.s32 $0xFFFFD800  }
0x1a: {  	_ =	swait.ge [sflag:s30], $0x2800  }
0x1b: {  	[sflag:s30] =	ssyncset.done $0x0  }
0x1c: {  	[sflag:s30] =	ssyncadd.s32 $0xFFFFD800  }
0x1d: {  	_ =	swait.ge [sflag:s20], $0x2800  }
0x1e: {  	[sflag:s20] =	ssyncset.done $0x0  }
0x1f: {  	s5 =	rddreg [dreg:$0x7];
	[sflag:s20] =	ssyncadd.s32 $0xFFFFD800  }
0x20: {  	[hbm4b:s5+s2] =	stream.linear.scatter [tilespmem:s15], [sflag:$0x9], $0x2800, $0x38;
	[tilespmem:$0x1B680] =	vst v63  }
0x21: {  	_ =	swait.ge [sflag:s20], $0x2800  }
0x22: {  	[sflag:s20] =	ssyncset.done $0x0  }
0x23: {  	[sflag:s20] =	ssyncadd.s32 $0xFFFFD800  }
0x24: {  	_ =	swait.ge [sflag:s22], $0x2800  }
0x25: {  	[sflag:s22] =	ssyncset.done $0x0  }
0x26: {  	[sflag:s22] =	ssyncadd.s32 $0xFFFFD800  }
0x27: {  	_ =	swait.ge [sflag:s23], $0x2800  }
0x28: {  	[sflag:s23] =	ssyncset.done $0x0  }
0x29: {  	[sflag:s23] =	ssyncadd.s32 $0xFFFFD800  }
0x2a: {  	_ =	swait.ge [sflag:s24], $0x2800  }
0x2b: {  	s26 =	sadd.s32 $0x1, s26;
	s12 =	rddreg [dreg:$0x8]  }
0x2c: {  	p0 =	sne.s32 s26, s12  }
.Ltmp1:
0x2d: {  	_ = 	snop;
	(pc) =	sbr.rel @!p0 .LBB2_7-.Ltmp1, $3  }
0x2e: {  	_ =	sdelay $0x1  }
0x2f: {  	[sflag:s24] =	ssyncset.done $0x0  }
0x30: {  	s10 =	simm.s32 $0x2780;
	[sflag:s24] =	ssyncadd.s32 $0xFFFFD800  }
.LBB2_1:
0x31: {  	s5 =	rddreg [dreg:$0x4]  }
0x32: {  	[tilespmem:s2], [sflag:$0xD] =	stream.linear.gather [hbm4b:s5+s2], $0x2710, $0x38;
	[tilespmem:$0x1B680] =	vst v63  }
0x33: {  	_ =	swait.ge [sflag:s11], $0x2710  }
0x34: {  	[sflag:s11] =	ssyncset.done $0x0  }
0x35: {  	s9 =	rddreg [dreg:$0x5];
	[sflag:s11] =	ssyncadd.s32 $0xFFFFD8F0  }
0x36: {  	[tilespmem:s10], [sflag:$0xD] =	stream.linear.gather [hbm4b:s9+s2], $0x2710, $0x38;
	[tilespmem:$0x1B680] =	vst v63  }
0x37: {  	_ =	swait.ge [sflag:s11], $0x2710  }
0x38: {  	[sflag:s11] =	ssyncset.done $0x0  }
0x39: {  	s6 =	simm.s32 $0x4F00;
	s12 =	rddreg [dreg:$0x6];
	[sflag:s11] =	ssyncadd.s32 $0xFFFFD8F0  }
0x3a: {  	[tilespmem:s6], [sflag:$0xD] =	stream.linear.gather [hbm4b:s12+s2], $0x2710, $0x38;
	[tilespmem:$0x1B680] =	vst v63  }
0x3b: {  	_ =	swait.ge [sflag:s11], $0x2710  }
0x3c: {  	[sflag:s11] =	ssyncset.done $0x0  }
0x3d: {  	s6 =	simm.s32 $0x27A0;
	[sflag:s11] =	ssyncadd.s32 $0xFFFFD8F0  }
0x3e: {  	s7 =	simm.s32 $0x4F20;
	v0 =	vld [tilespmem:s6+$0xFFFFFFE0]  }
0x3f: {  	s5 =	simm.s32 $0x20;
	v1 =	vld [tilespmem:s7+$0xFFFFFFE0]  }
0x40: {  	v2 =	vld [tilespmem:s5+$0xFFFFFFE0];
	_ =	sdelay $0x4  }
0x41: {  	vm0 =	veq.s32 v1, $0x1;
	vm1 =	vlt.s32 v2, v0  }
0x42: {  	vm0 =	vmand vm1, vm0  }
0x43: {  	v1 =	vnsel vm0, $0x2710, v2  }
0x44: {  	v0 =	vnsel vm0, $0x2710, v0;
	[tilespmem:s5+$0xFFFFFFE0] =	vst v1  }
0x45: {  	[tilespmem:s6+$0xFFFFFFE0] =	vst v0;
	v0 =	vld [tilespmem:s6+$0xFFFFFFF0]  }
0x46: {  	v1 =	vld [tilespmem:s7+$0xFFFFFFF0]  }
0x47: {  	v2 =	vld [tilespmem:s5+$0xFFFFFFF0];
	_ =	sdelay $0x4  }
0x48: {  	vm0 =	veq.s32 v1, $0x1;
	vm1 =	vlt.s32 v2, v0  }
0x49: {  	vm0 =	vmand vm1, vm0  }
0x4a: {  	v1 =	vnsel vm0, $0x2710, v2  }
0x4b: {  	v0 =	vnsel vm0, $0x2710, v0;
	[tilespmem:s5+$0xFFFFFFF0] =	vst v1  }
0x4c: {  	[tilespmem:s6+$0xFFFFFFF0] =	vst v0;
	v0 =	vld [tilespmem:s6+$0x0]  }
0x4d: {  	v1 =	vld [tilespmem:s5+$0x0]  }
0x4e: {  	v2 =	vld [tilespmem:s7+$0x0];
	_ =	sdelay $0x4  }
0x4f: {  	vm0 =	vlt.s32 v1, v0;
	vm1 =	veq.s32 v2, $0x1  }
0x50: {  	vm0 =	vmand vm0, vm1  }
0x51: {  	v1 =	vnsel vm0, $0x2710, v1  }
0x52: {  	v0 =	vnsel vm0, $0x2710, v0;
	[tilespmem:s5+$0x0] =	vst v1  }
0x53: {  	[tilespmem:s6+$0x0] =	vst v0;
	v0 =	vld [tilespmem:s6+$0x10]  }
0x54: {  	v1 =	vld [tilespmem:s5+$0x10]  }
0x55: {  	v2 =	vld [tilespmem:s7+$0x10];
	_ =	sdelay $0x4  }
0x56: {  	s8 =	simm.s32 $0x0;
	s9 =	simm.s32 $0x60;
	s12 =	simm.s32 $0x27A0;
	vm0 =	vlt.s32 v1, v0;
	vm1 =	veq.s32 v2, $0x1  }
.LBB2_2:
0x57: {  	s8 =	sadd.s32 $0x4, s8;
	vm0 =	vmand vm0, vm1;
	s7 =	sadd.s32 $0x40, s7;
	s6 =	sadd.s32 $0x40, s6  }
0x58: {  	p0 =	slt.u32 s8, $0x26C;
	v1 =	vnsel vm0, $0x2710, v1;
	v0 =	vnsel vm0, $0x2710, v0  }
0x59: {  	[tilespmem:s5+$0x10] =	vst v1;
	s5 =	smov.u32 s9  }
0x5a: {  	v1 =	vld [tilespmem:s6+$0xFFFFFFE0];
	[tilespmem:s12+$0x10] =	vst v0;
	s12 =	smov.u32 s6  }
0x5b: {  	v0 =	vld [tilespmem:s7+$0xFFFFFFE0]  }
0x5c: {  	v2 =	vld [tilespmem:s9+$0xFFFFFFE0];
	_ =	sdelay $0x4  }
0x5d: {  	vm0 =	veq.s32 v0, $0x1;
	vm1 =	vlt.s32 v2, v1  }
0x5e: {  	vm0 =	vmand vm1, vm0  }
0x5f: {  	v0 =	vnsel vm0, $0x2710, v2  }
0x60: {  	[tilespmem:s9+$0xFFFFFFE0] =	vst v0;
	v0 =	vnsel vm0, $0x2710, v1  }
0x61: {  	[tilespmem:s6+$0xFFFFFFE0] =	vst v0;
	v0 =	vld [tilespmem:s6+$0xFFFFFFF0]  }
0x62: {  	v1 =	vld [tilespmem:s7+$0xFFFFFFF0]  }
0x63: {  	v2 =	vld [tilespmem:s9+$0xFFFFFFF0];
	_ =	sdelay $0x3  }
0x64: {  	vm0 =	veq.s32 v1, $0x1  }
0x65: {  	vm1 =	vlt.s32 v2, v0  }
0x66: {  	vm0 =	vmand vm1, vm0  }
0x67: {  	v1 =	vnsel vm0, $0x2710, v2;
	v0 =	vnsel vm0, $0x2710, v0  }
0x68: {  	[tilespmem:s9+$0xFFFFFFF0] =	vst v1  }
0x69: {  	[tilespmem:s6+$0xFFFFFFF0] =	vst v0;
	v0 =	vld [tilespmem:s6+$0x0]  }
0x6a: {  	v1 =	vld [tilespmem:s9+$0x0]  }
0x6b: {  	v2 =	vld [tilespmem:s7+$0x0];
	_ =	sdelay $0x3  }
0x6c: {  	vm0 =	vlt.s32 v1, v0  }
0x6d: {  	vm1 =	veq.s32 v2, $0x1  }
0x6e: {  	vm0 =	vmand vm0, vm1  }
0x6f: {  	v1 =	vnsel vm0, $0x2710, v1;
	v0 =	vnsel vm0, $0x2710, v0  }
0x70: {  	[tilespmem:s9+$0x0] =	vst v1  }
0x71: {  	[tilespmem:s6+$0x0] =	vst v0;
	v0 =	vld [tilespmem:s6+$0x10]  }
0x72: {  	v1 =	vld [tilespmem:s9+$0x10]  }
0x73: {  	v2 =	vld [tilespmem:s7+$0x10]  }
.Ltmp2:
0x74: {  	(pc) =	sbr.rel @p0 .LBB2_2-.Ltmp2, $3  }
0x75: {  	_ =	sdelay $0x1  }
0x76: {  	vm0 =	vlt.s32 v1, v0  }
0x77: {  	s9 =	sadd.s32 $0x40, s9;
	vm1 =	veq.s32 v2, $0x1  }
0x78: {  	vm0 =	vmand vm0, vm1  }
0x79: {  	v1 =	vnsel vm0, $0x2710, v1  }
0x7a: {  	v0 =	vnsel vm0, $0x2710, v0;
	[tilespmem:s5+$0x10] =	vst v1  }
0x7b: {  	[tilespmem:s12+$0x10] =	vst v0  }
0x7c: {  	v0 =	vld [tilespmem:$0x2700]  }
0x7d: {  	v1 =	vld [tilespmem:$0x4E80]  }
0x7e: {  	v2 =	vld [tilespmem:$0x7600];
	_ =	sdelay $0x4  }
0x7f: {  	vm14 =	veq.s32 v2, $0x1;
	vm15 =	vlt.s32 v0, v1  }
0x80: {  	vm0 =	vmand vm15, vm14  }
0x81: {  	v0 =	vnsel vm0, $0x2710, v0  }
0x82: {  	v63 =	vnsel vm0, $0x2710, v1;
	[tilespmem:$0x2700] =	vst v0  }
0x83: {  	s5 =	simm.s32 $0x0;
	[tilespmem:$0x4E80] =	vst v63  }
0x84: {  	[tilespmem:s15], [sflag:$0x1] =	stream.indirect.gather [hbm4b:s3+s14], $0x80, s5, s14, $0xb8;
	[tilespmem:$0x1B680] =	vst v63  }
0x85: {  	_ = 	snop  }
0x86: {  	[tilespmem:s16], [sflag:$0x5] =	stream.indirect.gather [hbm4b:s4+s14], $0x80, s10, s14, $0xb8;
	[tilespmem:$0x1B680] =	vst v63  }
0x87: {  	_ = 	snop  }
0x88: {  	[tilespmem:s17], [sflag:$0x2] =	stream.indirect.gather [hbm4b:s3+s14], $0x80, s14, s14, $0xb8;
	[tilespmem:$0x1B680] =	vst v63  }
0x89: {  	s6 =	simm.s32 $0x27D0;
	s7 =	simm.s32 $0x13E80  }
0x8a: {  	[tilespmem:s7], [sflag:$0x6] =	stream.indirect.gather [hbm4b:s4+s14], $0x80, s6, s14, $0xb8;
	[tilespmem:$0x1B680] =	vst v63  }
0x8b: {  	s7 =	simm.s32 $0xA0  }
0x8c: {  	[tilespmem:s21], [sflag:$0x3] =	stream.indirect.gather [hbm4b:s3+s14], $0x80, s7, s14, $0xb8;
	[tilespmem:$0x1B680] =	vst v63  }
0x8d: {  	s8 =	simm.s32 $0x2820;
	s9 =	simm.s32 $0x16680  }
0x8e: {  	[tilespmem:s9], [sflag:$0x7] =	stream.indirect.gather [hbm4b:s4+s14], $0x80, s8, s14, $0xb8;
	[tilespmem:$0x1B680] =	vst v63  }
0x8f: {  	s10 =	simm.s32 $0xF0  }
0x90: {  	[tilespmem:s25], [sflag:$0x4] =	stream.indirect.gather [hbm4b:s3+s14], $0x80, s10, s14, $0xb8;
	[tilespmem:$0x1B680] =	vst v63  }
0x91: {  	s12 =	simm.s32 $0x2870;
	s6 =	rddreg [dreg:$0x9]  }
0x92: {  	[tilespmem:s28], [sflag:$0x8] =	stream.indirect.gather [hbm4b:s4+s14], $0x80, s12, s14, $0xb8;
	[tilespmem:$0x1B680] =	vst v63  }
.LBB2_4:
0x93: {  	_ =	swait.ge [sflag:s29], $0x2800  }
0x94: {  	[sflag:s29] =	ssyncset.done $0x0  }
0x95: {  	[sflag:s29] =	ssyncadd.s32 $0xFFFFD800  }
0x96: {  	_ =	swait.ge [sflag:s30], $0x2800  }
0x97: {  	p0 =	seq.s32 s5, $0x0;
	[sflag:s30] =	ssyncset.done $0x0  }
0x98: {  	s7 =	simm.s32 @!p0 $0x9;
	[sflag:s30] =	ssyncadd.s32 $0xFFFFD800  }
0x99: {  	_ =	swait.ge @!p0 [sflag:s7], $0x2800  }
0x9a: {  	[sflag:s7] =	ssyncset.done @!p0 $0x0  }
0x9b: {  	s10 =	sadd.s32 $0xFFFFF100, s6;
	[sflag:s7] =	ssyncadd.s32 @!p0 $0xFFFFD800;
	s7 =	sshra.s32 s5, $0x2  }
0x9c: {  	[hbm4b:s10+s2] =	stream.linear.scatter [tilespmem:s15], [sflag:$0x9], $0x2800, $0x38;
	[tilespmem:$0x1B680] =	vst v63  }
0x9d: {  	s8 =	sadd.s32 $0x140, s7  }
0x9e: {  	[tilespmem:s15], [sflag:$0x1] =	stream.indirect.gather [hbm4b:s3+s14], $0x80, s8, s14, $0xb8;
	[tilespmem:$0x1B680] =	vst v63  }
0x9f: {  	s12 =	sadd.s32 $0x28C0, s7  }
0xa0: {  	[tilespmem:s16], [sflag:$0x5] =	stream.indirect.gather [hbm4b:s4+s14], $0x80, s12, s14, $0xb8;
	[tilespmem:$0x1B680] =	vst v63  }
0xa1: {  	_ =	swait.ge [sflag:s31], $0x2800  }
0xa2: {  	[sflag:s31] =	ssyncset.done $0x0  }
0xa3: {  	[sflag:s31] =	ssyncadd.s32 $0xFFFFD800  }
0xa4: {  	_ =	swait.ge [sflag:s1], $0x2800  }
0xa5: {  	[sflag:s1] =	ssyncset.done $0x0  }
0xa6: {  	s8 =	simm.s32 @!p0 $0xA;
	[sflag:s1] =	ssyncadd.s32 $0xFFFFD800  }
0xa7: {  	_ =	swait.ge @!p0 [sflag:s8], $0x2800  }
0xa8: {  	p1 =	seq.s32 s5, $0x9600;
	[sflag:s8] =	ssyncset.done @!p0 $0x0  }
0xa9: {  	s9 =	sadd.s32 $0xFFFFF600, s6;
	[sflag:s8] =	ssyncadd.s32 @!p0 $0xFFFFD800;
	s8 =	sshra.s32 @!p1 s5, $0x2  }
0xaa: {  	[hbm4b:s9+s2] =	stream.linear.scatter [tilespmem:s17], [sflag:$0xA], $0x2800, $0x38;
	[tilespmem:$0x1B680] =	vst v63  }
0xab: {  	s10 =	simm.s32 @!p1 $0x9E80;
	s12 =	simm.s32 @!p1 $0x50;
	s9 =	sadd.s32 @!p1 $0x190, s8  }
0xac: {  	[tilespmem:s10], [sflag:$0x2] =	stream.indirect.gather @!p1 [hbm4b:s3+s12], $0x80, s9, s12, $0xb8;
	[tilespmem:$0x1B680] =	vst v63  }
0xad: {  	s9 =	sadd.s32 @!p1 $0x2910, s8;
	s10 =	simm.s32 @!p1 $0x13E80  }
0xae: {  	[tilespmem:s10], [sflag:$0x6] =	stream.indirect.gather @!p1 [hbm4b:s4+s12], $0x80, s9, s12, $0xb8;
	[tilespmem:$0x1B680] =	vst v63  }
0xaf: {  	_ =	swait.ge [sflag:s0], $0x2800  }
0xb0: {  	[sflag:s0] =	ssyncset.done $0x0  }
0xb1: {  	[sflag:s0] =	ssyncadd.s32 $0xFFFFD800  }
0xb2: {  	_ =	swait.ge [sflag:s13], $0x2800  }
0xb3: {  	[sflag:s13] =	ssyncset.done $0x0  }
0xb4: {  	s9 =	simm.s32 @!p0 $0xB;
	[sflag:s13] =	ssyncadd.s32 $0xFFFFD800  }
0xb5: {  	_ =	swait.ge @!p0 [sflag:s9], $0x2800  }
0xb6: {  	[sflag:s9] =	ssyncset.done @!p0 $0x0  }
0xb7: {  	s10 =	sadd.s32 $0xFFFFFB00, s6;
	[sflag:s9] =	ssyncadd.s32 @!p0 $0xFFFFD800  }
0xb8: {  	[hbm4b:s10+s2] =	stream.linear.scatter [tilespmem:s21], [sflag:$0xB], $0x2800, $0x38;
	[tilespmem:$0x1B680] =	vst v63  }
0xb9: {  	s9 =	sadd.s32 @!p1 $0x1E0, s8;
	s10 =	simm.s32 @!p1 $0xC680  }
0xba: {  	[tilespmem:s10], [sflag:$0x3] =	stream.indirect.gather @!p1 [hbm4b:s3+s12], $0x80, s9, s12, $0xb8;
	[tilespmem:$0x1B680] =	vst v63  }
0xbb: {  	s8 =	sadd.s32 @!p1 $0x2960, s8;
	s9 =	simm.s32 @!p1 $0x16680  }
0xbc: {  	[tilespmem:s9], [sflag:$0x7] =	stream.indirect.gather @!p1 [hbm4b:s4+s12], $0x80, s8, s12, $0xb8;
	[tilespmem:$0x1B680] =	vst v63  }
0xbd: {  	_ =	swait.ge [sflag:s18], $0x2800  }
0xbe: {  	[sflag:s18] =	ssyncset.done $0x0  }
0xbf: {  	[sflag:s18] =	ssyncadd.s32 $0xFFFFD800  }
0xc0: {  	_ =	swait.ge [sflag:s19], $0x2800  }
0xc1: {  	[sflag:s19] =	ssyncset.done $0x0  }
.Ltmp3:
0xc2: {  	s8 =	simm.s32 @!p0 $0xC;
	[sflag:s19] =	ssyncadd.s32 $0xFFFFD800;
	(pc) =	sbr.rel @p1 .LBB2_6-.Ltmp3, $4  }
0xc3: {  	_ =	swait.ge @!p0 [sflag:s8], $0x2800  }
0xc4: {  	[sflag:s8] =	ssyncset.done @!p0 $0x0  }
0xc5: {  	[sflag:s8] =	ssyncadd.s32 @!p0 $0xFFFFD800  }
0xc6: {  	[hbm4b:s6+s2] =	stream.linear.scatter [tilespmem:s25], [sflag:$0xC], $0x2800, $0x38;
	[tilespmem:$0x1B680] =	vst v63  }
.Ltmp4:
0xc7: {  	(pc) =	sbr.rel .LBB2_4-.Ltmp4, $4  }
0xc8: {  	s8 =	sadd.s32 $0x230, s7  }
0xc9: {  	[tilespmem:s25], [sflag:$0x4] =	stream.indirect.gather [hbm4b:s3+s14], $0x80, s8, s14, $0xb8;
	[tilespmem:$0x1B680] =	vst v63  }
0xca: {  	s12 =	sadd.s32 $0x29B0, s7;
	s6 =	sadd.s32 $0x1400, s6;
	s5 =	sadd.s32 $0x500, s5  }
0xcb: {  	[tilespmem:s28], [sflag:$0x8] =	stream.indirect.gather [hbm4b:s4+s14], $0x80, s12, s14, $0xb8;
	[tilespmem:$0x1B680] =	vst v63  }
.LBB2_7:
0xcc: {  	_ =	sfence.sel $0x180000  }
0xcd: {  	[bflag:$0x0] =	sbarrier.arrive $0xFFFF  }
0xce: {  	_ =	strace $0x90000047  }
0xcf: {  	s0 =	stileid.u32;
	[bflag:$0x2] =	sbarrier.arrive $0xFFFF  }
0xd0: {  	p0 =	sne.s32 s0, $0x0;
	s0 =	rddreg [dreg:$0x3]  }
0xd1: {  	s0 =	sadd.s32 @!p0 $0x100000, s0  }
0xd2: {  	[sflag:s0] =	ssyncadd.tile.s32 @!p0 $0x1;
	_ =	shalt  }
.Lfunc_end2:
_tile_overlayer_lowered:
.L_overlay_start_2:
0xd3: {  	(tag) =	ssettag $0x2  }
0xd4: {  	s0 =	rddreg [dreg:$0x0];
	s2 =	stileid.u32  }
0xd5: {  	s1 =	rddreg [dreg:$0x1];
	p0 =	sne.s32 s2, $0x0  }
0xd6: {  	s3 =	rddreg [dreg:$0x2];
	[bflag:$0x3] =	sbarrier.arrive $0xFFFF;
	s2 =	simm.s32 @!p0 $0x1C0D  }
0xd7: {  	[timem:s3], [sflag:s2] =	dma.local @!p0 [hbm:s0], s1  }
0xd8: {  	s0 =	simm.s32 @!p0 $0xD  }
0xd9: {  	_ =	swait.ge @!p0 [sflag:s0], s1  }
0xda: {  	s1 =	ssub.s32 @!p0 $0x0, s1;
	[sflag:s0] =	ssyncset.done @!p0 $0x0  }
0xdb: {  	[sflag:s0] =	ssyncadd.s32 @!p0 s1  }
0xdc: {  	[bflag:$0x3] =	sbarrier.arrive $0xFFFF  }
0xdd: {  	_ =	shalt  }

</sc_bundles>
